<compile_context>
chip_gen: v7x
topology: tpu7x:2x2x1
jax: 0.10.2.dev20260603
libtpu: 0.0.44.dev20260713+nightly
codegen_flags: <defaults>
</compile_context>

<pallas_src>
import jax
import jax.numpy as jnp
from jax import lax
from jax.experimental import pallas as pl
from jax.experimental.pallas import tpu as pltpu
from jax.experimental.pallas import tpu_sc as plsc

VOCAB = 100000
EMBED = 64
SEQ = 200
BATCH = 4096

NC, NS = 2, 16
NW = NC * NS
BT = BATCH // 128
ST = SEQ // 8
SLAB = 2
NSLAB = SEQ // SLAB
ROWS_SLAB = SLAB * 128
BUFP = 129


def _slab_gathers(i, slot, idx_v, tok_hbm, rows_v, gsem):
    st = i >> 2
    r0 = (i & 3) * 2
    descs = []
    for sr in range(SLAB):
        descs.append(pltpu.async_copy(
            tok_hbm.at[idx_v.at[st, r0 + sr]],
            rows_v.at[pl.ds(slot * ROWS_SLAB + sr * 128, 128)],
            gsem,
        ))
    return descs


def _slab_compute(i, rbase, bslot16, rows_v, buf_v, pos_v):
    lanes = lax.iota(jnp.int32, 16)
    e_vec = lanes & 7
    et_off16 = (lanes >> 3) + bslot16
    ps = [[pos_v[2 * i + sr, pl.ds(eb * 16, 16)] for eb in range(4)]
          for sr in range(SLAB)]
    r_vecs = [[et_off16 + (sr * 8 + 2 * eb) for eb in range(4)]
              for sr in range(SLAB)]

    @plsc.parallel_loop(0, 128, unroll=4, carry=lanes & 0)
    def b_body(b, bvec):
        for sr in range(SLAB):
            row = rbase + sr * 128 + b
            for eb in range(4):
                v = rows_v[row, pl.ds(eb * 16, 16)]
                plsc.store_scatter(buf_v, [r_vecs[sr][eb], e_vec, bvec],
                                   v + ps[sr][eb])
        return bvec + 1


def _body(idx_hbm, tok_hbm, pos_hbm, out_hbm, idx_v, pos_v, rows_v, buf_v,
          gsem0, gsem1, gsem2, osem0, osem1):
    wid = lax.axis_index("s") * NC + lax.axis_index("c")
    gsems = (gsem0, gsem1, gsem2)
    osems = (osem0, osem1)

    pltpu.sync_copy(idx_hbm.at[:, wid], idx_v)
    pltpu.sync_copy(pos_hbm, pos_v)

    _slab_gathers(0, 0, idx_v, tok_hbm, rows_v, gsems[0])
    _slab_gathers(1, 1, idx_v, tok_hbm, rows_v, gsems[1])

    def out_copy(i, slot, osem):
        return pltpu.async_copy(
            buf_v.at[pl.ds(slot * 16, 16), :, pl.ds(0, 128)],
            out_hbm.at[pl.ds(16 * i, 16), wid],
            osem,
        )

    def iteration(i, _):
        rslot = lax.rem(i, 3)
        for rs in range(3):
            @pl.when(jnp.logical_and(lax.rem(i + 2, 3) == rs, i + 2 < NSLAB))
            def _():
                _slab_gathers(i + 2, rs, idx_v, tok_hbm, rows_v, gsems[rs])
        for rs in range(3):
            @pl.when(rslot == rs)
            def _():
                for sr in range(SLAB):
                    pltpu.make_async_copy(
                        tok_hbm.at[idx_v.at[0, 0]],
                        rows_v.at[pl.ds(rs * ROWS_SLAB + sr * 128, 128)],
                        gsems[rs],
                    ).wait()
        for bs in range(2):
            @pl.when(jnp.logical_and((i & 1) == bs, i >= 2))
            def _():
                pltpu.make_async_copy(
                    buf_v.at[pl.ds(bs * 16, 16), :, pl.ds(0, 128)],
                    out_hbm.at[pl.ds(16 * (i - 2), 16), wid],
                    osems[bs],
                ).wait()
        _slab_compute(i, rslot * ROWS_SLAB, (i & 1) * 16, rows_v, buf_v,
                      pos_v)
        for bs in range(2):
            @pl.when((i & 1) == bs)
            def _():
                out_copy(i, bs, osems[bs])
        return ()

    lax.fori_loop(0, NSLAB, iteration, ())

    for i in (NSLAB - 2, NSLAB - 1):
        slot = i % 2
        pltpu.make_async_copy(
            buf_v.at[pl.ds(slot * 16, 16), :, pl.ds(0, 128)],
            out_hbm.at[pl.ds(16 * i, 16), wid],
            osems[slot],
        ).wait()


@jax.jit
def _embed(idx4d, token_table, pos_table):
    mesh = plsc.VectorSubcoreMesh(core_axis_name="c", subcore_axis_name="s")
    return pl.kernel(
        _body,
        out_type=jax.ShapeDtypeStruct((SEQ * 8, BT, 8, 128), jnp.float32),
        mesh=mesh,
        compiler_params=pltpu.CompilerParams(
            needs_layout_passes=False, use_tc_tiling_on_sc=False),
        scratch_types=[
            pltpu.VMEM((ST, 8, 128), jnp.int32),
            pltpu.VMEM((SEQ, EMBED), jnp.float32),
            pltpu.VMEM((3 * ROWS_SLAB, EMBED), jnp.float32),
            pltpu.VMEM((32, 8, BUFP), jnp.float32),
            pltpu.SemaphoreType.DMA,
            pltpu.SemaphoreType.DMA,
            pltpu.SemaphoreType.DMA,
            pltpu.SemaphoreType.DMA,
            pltpu.SemaphoreType.DMA,
        ],
    )(idx4d, token_table, pos_table)


def kernel(inputs, token_table, pos_table):
    idx4d = (inputs.astype(jnp.int32)
             .reshape(BT, 128, ST, 8).transpose(2, 0, 3, 1))
    out = _embed(idx4d, token_table, pos_table)
    return (out.reshape(SEQ, 8, BT, 8, 128)
            .transpose(2, 4, 0, 1, 3).reshape(BATCH, SEQ, EMBED))

# --- scband reference (transcript-rebuilt; emitter-appended) ---
"""Pipeline reference for scband-sentence-piece-embedding-84378927497866 (READ-ONLY COPY).

The authoritative reference and input builder live on the scoring server;
editing this copy changes nothing except your own understanding.
"""

import jax, jax.numpy as jnp
import numpy as np

VOCAB = 100000
EMBED = 64
SEQ = 200
BATCH = 4096

def setup_inputs(seed: int = 0) -> dict:
    key = jax.random.key(seed)
    k1, k2, k3 = jax.random.split(key, 3)
    inputs = jax.random.randint(k1, (BATCH, SEQ), 0, VOCAB, dtype=jnp.int64 if jax.config.jax_enable_x64 else jnp.int32)
    token_table = jax.random.normal(k2, (VOCAB, EMBED), dtype=jnp.float32) * 0.02
    pos_table = jax.random.normal(k3, (SEQ, EMBED), dtype=jnp.float32) * 0.02
    return {"inputs": inputs, "token_table": token_table, "pos_table": pos_table}

def reference(inputs, token_table, pos_table):
    # positional embedding: lookup positions 0..seq_len-1
    seq_len = inputs.shape[1]
    positions = jnp.arange(seq_len)
    x_p = jnp.take(pos_table, positions, axis=0)            # [SEQ, EMBED]
    x_t = jnp.take(token_table, inputs, axis=0)             # [BATCH, SEQ, EMBED]
    out = x_t + x_p[None, :, :]                              # broadcast Add
    return out

if __name__ == "__main__":
    import jax
    _d = setup_inputs()
    print(jax.jit(kernel)(*tuple(_d.values())))

</pallas_src>

<mosaic_0001>
#map = affine_map<(d0, d1) -> (0, 0, 0, 0)>
#map1 = affine_map<(d0, d1) -> (0, 0)>
module attributes {stable_mosaic.version = 14 : i64} {
  func.func @_body(%arg0: i32, %arg1: i32, %arg2: memref<25x32x8x128xi32, #tpu.memory_space<hbm>>, %arg3: memref<100000x64xf32, #tpu.memory_space<hbm>>, %arg4: memref<200x64xf32, #tpu.memory_space<hbm>>, %arg5: memref<1600x32x8x128xf32, #tpu.memory_space<hbm>>, %arg6: memref<25x8x128xi32, #tpu.memory_space<vmem>>, %arg7: memref<200x64xf32, #tpu.memory_space<vmem>>, %arg8: memref<768x64xf32, #tpu.memory_space<vmem>>, %arg9: memref<32x8x129xf32, #tpu.memory_space<vmem>>, %arg10: memref<!tpu.dma_semaphore, #tpu.memory_space<semaphore_mem>>, %arg11: memref<!tpu.dma_semaphore, #tpu.memory_space<semaphore_mem>>, %arg12: memref<!tpu.dma_semaphore, #tpu.memory_space<semaphore_mem>>, %arg13: memref<!tpu.dma_semaphore, #tpu.memory_space<semaphore_mem>>, %arg14: memref<!tpu.dma_semaphore, #tpu.memory_space<semaphore_mem>>) attributes {dimension_semantics = [#tpu.dimension_semantics<core_parallel>, #tpu.dimension_semantics<subcore_parallel>], iteration_bounds = array<i64: 2, 16>, scalar_prefetch = 0 : i64, scratch_operands = 9 : i64, tpu.core_type = #tpu.core_type<sc_vector_subcore>, window_params = [{transform_indices = #map}, {transform_indices = #map1}, {transform_indices = #map1}, {transform_indices = #map}]} {
    %mul3A = arith.constant 2 : i32
    %mul3A_0 = arith.muli %arg1, %mul3A : i32
    %add3A = arith.addi %mul3A_0, %arg0 : i32
    "tpu.region"() ({
      %run_scoped3A = tpu.sem_alloc : memref<!tpu.dma_semaphore, #tpu.memory_space<semaphore_mem>>
      %dma_start3A_83 = arith.constant 0 : i32
      %dma_start3A_84 = arith.constant 0 : i32
      %dma_start3A_85 = arith.constant 0 : i32
      %dma_start3A_86 = tpu.memref_slice %arg2[%dma_start3A_83, %add3A, %dma_start3A_84, %dma_start3A_85] : memref<25x32x8x128xi32, #tpu.memory_space<hbm>> -> memref<25x1x8x128xi32, #tpu.memory_space<hbm>>
      %dma_start3A_87 = tpu.memref_squeeze %dma_start3A_86 : memref<25x1x8x128xi32, #tpu.memory_space<hbm>> -> memref<25x8x128xi32, #tpu.memory_space<hbm>>
      %dma_start3A_88 = arith.constant 0 : i32
      %dma_start3A_89 = arith.constant 0 : i32
      %dma_start3A_90 = arith.constant 0 : i32
      %dma_start3A_91 = tpu.memref_slice %arg2[%dma_start3A_88, %add3A, %dma_start3A_89, %dma_start3A_90] : memref<25x32x8x128xi32, #tpu.memory_space<hbm>> -> memref<25x1x8x128xi32, #tpu.memory_space<hbm>>
      %dma_start3A_92 = tpu.memref_squeeze %dma_start3A_91 : memref<25x1x8x128xi32, #tpu.memory_space<hbm>> -> memref<25x8x128xi32, #tpu.memory_space<hbm>>
      tpu.enqueue_dma source(%dma_start3A_92 : memref<25x8x128xi32, #tpu.memory_space<hbm>>) target(%arg6 : memref<25x8x128xi32, #tpu.memory_space<vmem>>) target_semaphore(%run_scoped3A : memref<!tpu.dma_semaphore, #tpu.memory_space<semaphore_mem>>)
      %dma_wait3A_93 = arith.constant 0 : i32
      %dma_wait3A_94 = arith.constant 0 : i32
      %dma_wait3A_95 = arith.constant 0 : i32
      %dma_wait3A_96 = tpu.memref_slice %arg2[%dma_wait3A_93, %add3A, %dma_wait3A_94, %dma_wait3A_95] : memref<25x32x8x128xi32, #tpu.memory_space<hbm>> -> memref<25x1x8x128xi32, #tpu.memory_space<hbm>>
      %dma_wait3A_97 = tpu.memref_squeeze %dma_wait3A_96 : memref<25x1x8x128xi32, #tpu.memory_space<hbm>> -> memref<25x8x128xi32, #tpu.memory_space<hbm>>
      %dma_wait3A_98 = arith.constant 0 : i32
      %dma_wait3A_99 = arith.constant 0 : i32
      %dma_wait3A_100 = arith.constant 0 : i32
      %dma_wait3A_101 = tpu.memref_slice %arg2[%dma_wait3A_98, %add3A, %dma_wait3A_99, %dma_wait3A_100] : memref<25x32x8x128xi32, #tpu.memory_space<hbm>> -> memref<25x1x8x128xi32, #tpu.memory_space<hbm>>
      %dma_wait3A_102 = tpu.memref_squeeze %dma_wait3A_101 : memref<25x1x8x128xi32, #tpu.memory_space<hbm>> -> memref<25x8x128xi32, #tpu.memory_space<hbm>>
      tpu.wait_dma2 semaphore(%run_scoped3A : memref<!tpu.dma_semaphore, #tpu.memory_space<semaphore_mem>>) src(%dma_wait3A_102 : memref<25x8x128xi32, #tpu.memory_space<hbm>>) dst(%arg6 : memref<25x8x128xi32, #tpu.memory_space<vmem>>)
      tpu.yield
    }) : () -> ()
    "tpu.region"() ({
      %run_scoped3A = tpu.sem_alloc : memref<!tpu.dma_semaphore, #tpu.memory_space<semaphore_mem>>
      tpu.enqueue_dma source(%arg4 : memref<200x64xf32, #tpu.memory_space<hbm>>) target(%arg7 : memref<200x64xf32, #tpu.memory_space<vmem>>) target_semaphore(%run_scoped3A : memref<!tpu.dma_semaphore, #tpu.memory_space<semaphore_mem>>)
      tpu.wait_dma2 semaphore(%run_scoped3A : memref<!tpu.dma_semaphore, #tpu.memory_space<semaphore_mem>>) src(%arg4 : memref<200x64xf32, #tpu.memory_space<hbm>>) dst(%arg7 : memref<200x64xf32, #tpu.memory_space<vmem>>)
      tpu.yield
    }) : () -> ()
    %dma_start3A = arith.constant 0 : i32
    %dma_start3A_1 = arith.constant 0 : i32
    %dma_start3A_2 = arith.constant 0 : i32
    %dma_start3A_3 = arith.constant 0 : i32
    %dma_start3A_4 = tpu.memref_slice %arg8[%dma_start3A_2, %dma_start3A_3] : memref<768x64xf32, #tpu.memory_space<vmem>> -> memref<128x64xf32, #tpu.memory_space<vmem>>
    %dma_start3A_5 = arith.constant 0 : i32
    %dma_start3A_6 = tpu.memref_slice %arg6[%dma_start3A, %dma_start3A_1, %dma_start3A_5] : memref<25x8x128xi32, #tpu.memory_space<vmem>> -> memref<1x1x128xi32, #tpu.memory_space<vmem>>
    %dma_start3A_7 = tpu.memref_squeeze %dma_start3A_6 : memref<1x1x128xi32, #tpu.memory_space<vmem>> -> memref<128xi32, #tpu.memory_space<vmem>>
    %dma_start3A_8 = arith.constant 0 : i32
    %dma_start3A_9 = arith.constant 0 : i32
    %dma_start3A_10 = tpu.memref_slice %arg3[%dma_start3A_8, %dma_start3A_9] : memref<100000x64xf32, #tpu.memory_space<hbm>> -> memref<100000x64xf32, #tpu.memory_space<hbm>>
    tpu.enqueue_indirect_dma source(%dma_start3A_10 : memref<100000x64xf32, #tpu.memory_space<hbm>>) target(%dma_start3A_4 : memref<128x64xf32, #tpu.memory_space<vmem>>) offsets(%dma_start3A_7 : memref<128xi32, #tpu.memory_space<vmem>>) semaphore(%arg10 : memref<!tpu.dma_semaphore, #tpu.memory_space<semaphore_mem>>)
    %dma_start3A_11 = arith.constant 0 : i32
    %dma_start3A_12 = arith.constant 1 : i32
    %dma_start3A_13 = arith.constant 128 : i32
    %dma_start3A_14 = arith.constant 0 : i32
    %dma_start3A_15 = tpu.memref_slice %arg8[%dma_start3A_13, %dma_start3A_14] : memref<768x64xf32, #tpu.memory_space<vmem>> -> memref<128x64xf32, #tpu.memory_space<vmem>>
    %dma_start3A_16 = arith.constant 0 : i32
    %dma_start3A_17 = tpu.memref_slice %arg6[%dma_start3A_11, %dma_start3A_12, %dma_start3A_16] : memref<25x8x128xi32, #tpu.memory_space<vmem>> -> memref<1x1x128xi32, #tpu.memory_space<vmem>>
    %dma_start3A_18 = tpu.memref_squeeze %dma_start3A_17 : memref<1x1x128xi32, #tpu.memory_space<vmem>> -> memref<128xi32, #tpu.memory_space<vmem>>
    %dma_start3A_19 = arith.constant 0 : i32
    %dma_start3A_20 = arith.constant 0 : i32
    %dma_start3A_21 = tpu.memref_slice %arg3[%dma_start3A_19, %dma_start3A_20] : memref<100000x64xf32, #tpu.memory_space<hbm>> -> memref<100000x64xf32, #tpu.memory_space<hbm>>
    tpu.enqueue_indirect_dma source(%dma_start3A_21 : memref<100000x64xf32, #tpu.memory_space<hbm>>) target(%dma_start3A_15 : memref<128x64xf32, #tpu.memory_space<vmem>>) offsets(%dma_start3A_18 : memref<128xi32, #tpu.memory_space<vmem>>) semaphore(%arg10 : memref<!tpu.dma_semaphore, #tpu.memory_space<semaphore_mem>>)
    %dma_start3A_22 = arith.constant 0 : i32
    %dma_start3A_23 = arith.constant 2 : i32
    %dma_start3A_24 = arith.constant 256 : i32
    %dma_start3A_25 = arith.constant 0 : i32
    %dma_start3A_26 = tpu.memref_slice %arg8[%dma_start3A_24, %dma_start3A_25] : memref<768x64xf32, #tpu.memory_space<vmem>> -> memref<128x64xf32, #tpu.memory_space<vmem>>
    %dma_start3A_27 = arith.constant 0 : i32
    %dma_start3A_28 = tpu.memref_slice %arg6[%dma_start3A_22, %dma_start3A_23, %dma_start3A_27] : memref<25x8x128xi32, #tpu.memory_space<vmem>> -> memref<1x1x128xi32, #tpu.memory_space<vmem>>
    %dma_start3A_29 = tpu.memref_squeeze %dma_start3A_28 : memref<1x1x128xi32, #tpu.memory_space<vmem>> -> memref<128xi32, #tpu.memory_space<vmem>>
    %dma_start3A_30 = arith.constant 0 : i32
    %dma_start3A_31 = arith.constant 0 : i32
    %dma_start3A_32 = tpu.memref_slice %arg3[%dma_start3A_30, %dma_start3A_31] : memref<100000x64xf32, #tpu.memory_space<hbm>> -> memref<100000x64xf32, #tpu.memory_space<hbm>>
    tpu.enqueue_indirect_dma source(%dma_start3A_32 : memref<100000x64xf32, #tpu.memory_space<hbm>>) target(%dma_start3A_26 : memref<128x64xf32, #tpu.memory_space<vmem>>) offsets(%dma_start3A_29 : memref<128xi32, #tpu.memory_space<vmem>>) semaphore(%arg11 : memref<!tpu.dma_semaphore, #tpu.memory_space<semaphore_mem>>)
    %dma_start3A_33 = arith.constant 0 : i32
    %dma_start3A_34 = arith.constant 3 : i32
    %dma_start3A_35 = arith.constant 384 : i32
    %dma_start3A_36 = arith.constant 0 : i32
    %dma_start3A_37 = tpu.memref_slice %arg8[%dma_start3A_35, %dma_start3A_36] : memref<768x64xf32, #tpu.memory_space<vmem>> -> memref<128x64xf32, #tpu.memory_space<vmem>>
    %dma_start3A_38 = arith.constant 0 : i32
    %dma_start3A_39 = tpu.memref_slice %arg6[%dma_start3A_33, %dma_start3A_34, %dma_start3A_38] : memref<25x8x128xi32, #tpu.memory_space<vmem>> -> memref<1x1x128xi32, #tpu.memory_space<vmem>>
    %dma_start3A_40 = tpu.memref_squeeze %dma_start3A_39 : memref<1x1x128xi32, #tpu.memory_space<vmem>> -> memref<128xi32, #tpu.memory_space<vmem>>
    %dma_start3A_41 = arith.constant 0 : i32
    %dma_start3A_42 = arith.constant 0 : i32
    %dma_start3A_43 = tpu.memref_slice %arg3[%dma_start3A_41, %dma_start3A_42] : memref<100000x64xf32, #tpu.memory_space<hbm>> -> memref<100000x64xf32, #tpu.memory_space<hbm>>
    tpu.enqueue_indirect_dma source(%dma_start3A_43 : memref<100000x64xf32, #tpu.memory_space<hbm>>) target(%dma_start3A_37 : memref<128x64xf32, #tpu.memory_space<vmem>>) offsets(%dma_start3A_40 : memref<128xi32, #tpu.memory_space<vmem>>) semaphore(%arg11 : memref<!tpu.dma_semaphore, #tpu.memory_space<semaphore_mem>>)
    %scan3A = arith.constant 0 : i32
    %scan3A_44 = arith.constant 100 : i32
    %scan3A_45 = arith.addi %scan3A, %scan3A_44 : i32
    %scan3A_46 = arith.constant 1 : i32
    scf.for %scan3A_83 = %scan3A to %scan3A_45 step %scan3A_46  : i32 {
      %rem3A = arith.constant 3 : i32
      %rem3A_84 = arith.remsi %scan3A_83, %rem3A : i32
      %add3A_85 = arith.constant 2 : i32
      %add3A_86 = arith.addi %scan3A_83, %add3A_85 : i32
      %rem3A_87 = arith.constant 3 : i32
      %rem3A_88 = arith.remsi %add3A_86, %rem3A_87 : i32
      %eq3A = arith.constant 0 : i32
      %eq3A_89 = arith.cmpi eq, %rem3A_88, %eq3A : i32
      %add3A_90 = arith.constant 2 : i32
      %add3A_91 = arith.addi %scan3A_83, %add3A_90 : i32
      %lt3A = arith.constant 100 : i32
      %lt3A_92 = arith.cmpi slt, %add3A_91, %lt3A : i32
      %and3A = arith.andi %eq3A_89, %lt3A_92 : i1
      %convert_element_type3A = arith.extui %and3A : i1 to i32
      %cond3A = arith.constant 0 : i32
      %cond3A_93 = arith.cmpi ne, %convert_element_type3A, %cond3A : i32
      scf.if %cond3A_93 {
        %add3A_268 = arith.constant 2 : i32
        %add3A_269 = arith.addi %scan3A_83, %add3A_268 : i32
        %shift_right_arithmetic3A_270 = arith.constant 2 : i32
        %shift_right_arithmetic3A_271 = arith.shrsi %add3A_269, %shift_right_arithmetic3A_270 : i32
        %and3A_272 = arith.constant 3 : i32
        %and3A_273 = arith.andi %add3A_269, %and3A_272 : i32
        %mul3A_274 = arith.constant 2 : i32
        %mul3A_275 = arith.muli %and3A_273, %mul3A_274 : i32
        %add3A_276 = arith.constant 0 : i32
        %add3A_277 = arith.addi %mul3A_275, %add3A_276 : i32
        %dma_start3A_278 = arith.constant 0 : i32
        %dma_start3A_279 = arith.constant 0 : i32
        %dma_start3A_280 = tpu.memref_slice %arg8[%dma_start3A_278, %dma_start3A_279] : memref<768x64xf32, #tpu.memory_space<vmem>> -> memref<128x64xf32, #tpu.memory_space<vmem>>
        %dma_start3A_281 = arith.constant 0 : i32
        %dma_start3A_282 = tpu.memref_slice %arg6[%shift_right_arithmetic3A_271, %add3A_277, %dma_start3A_281] : memref<25x8x128xi32, #tpu.memory_space<vmem>> -> memref<1x1x128xi32, #tpu.memory_space<vmem>>
        %dma_start3A_283 = tpu.memref_squeeze %dma_start3A_282 : memref<1x1x128xi32, #tpu.memory_space<vmem>> -> memref<128xi32, #tpu.memory_space<vmem>>
        %dma_start3A_284 = arith.constant 0 : i32
        %dma_start3A_285 = arith.constant 0 : i32
        %dma_start3A_286 = tpu.memref_slice %arg3[%dma_start3A_284, %dma_start3A_285] : memref<100000x64xf32, #tpu.memory_space<hbm>> -> memref<100000x64xf32, #tpu.memory_space<hbm>>
        tpu.enqueue_indirect_dma source(%dma_start3A_286 : memref<100000x64xf32, #tpu.memory_space<hbm>>) target(%dma_start3A_280 : memref<128x64xf32, #tpu.memory_space<vmem>>) offsets(%dma_start3A_283 : memref<128xi32, #tpu.memory_space<vmem>>) semaphore(%arg10 : memref<!tpu.dma_semaphore, #tpu.memory_space<semaphore_mem>>)
        %add3A_287 = arith.constant 1 : i32
        %add3A_288 = arith.addi %mul3A_275, %add3A_287 : i32
        %dma_start3A_289 = arith.constant 128 : i32
        %dma_start3A_290 = arith.constant 0 : i32
        %dma_start3A_291 = tpu.memref_slice %arg8[%dma_start3A_289, %dma_start3A_290] : memref<768x64xf32, #tpu.memory_space<vmem>> -> memref<128x64xf32, #tpu.memory_space<vmem>>
        %dma_start3A_292 = arith.constant 0 : i32
        %dma_start3A_293 = tpu.memref_slice %arg6[%shift_right_arithmetic3A_271, %add3A_288, %dma_start3A_292] : memref<25x8x128xi32, #tpu.memory_space<vmem>> -> memref<1x1x128xi32, #tpu.memory_space<vmem>>
        %dma_start3A_294 = tpu.memref_squeeze %dma_start3A_293 : memref<1x1x128xi32, #tpu.memory_space<vmem>> -> memref<128xi32, #tpu.memory_space<vmem>>
        %dma_start3A_295 = arith.constant 0 : i32
        %dma_start3A_296 = arith.constant 0 : i32
        %dma_start3A_297 = tpu.memref_slice %arg3[%dma_start3A_295, %dma_start3A_296] : memref<100000x64xf32, #tpu.memory_space<hbm>> -> memref<100000x64xf32, #tpu.memory_space<hbm>>
        tpu.enqueue_indirect_dma source(%dma_start3A_297 : memref<100000x64xf32, #tpu.memory_space<hbm>>) target(%dma_start3A_291 : memref<128x64xf32, #tpu.memory_space<vmem>>) offsets(%dma_start3A_294 : memref<128xi32, #tpu.memory_space<vmem>>) semaphore(%arg10 : memref<!tpu.dma_semaphore, #tpu.memory_space<semaphore_mem>>)
      } else {
      }
      %add3A_94 = arith.constant 2 : i32
      %add3A_95 = arith.addi %scan3A_83, %add3A_94 : i32
      %rem3A_96 = arith.constant 3 : i32
      %rem3A_97 = arith.remsi %add3A_95, %rem3A_96 : i32
      %eq3A_98 = arith.constant 1 : i32
      %eq3A_99 = arith.cmpi eq, %rem3A_97, %eq3A_98 : i32
      %add3A_100 = arith.constant 2 : i32
      %add3A_101 = arith.addi %scan3A_83, %add3A_100 : i32
      %lt3A_102 = arith.constant 100 : i32
      %lt3A_103 = arith.cmpi slt, %add3A_101, %lt3A_102 : i32
      %and3A_104 = arith.andi %eq3A_99, %lt3A_103 : i1
      %convert_element_type3A_105 = arith.extui %and3A_104 : i1 to i32
      %cond3A_106 = arith.constant 0 : i32
      %cond3A_107 = arith.cmpi ne, %convert_element_type3A_105, %cond3A_106 : i32
      scf.if %cond3A_107 {
        %add3A_268 = arith.constant 2 : i32
        %add3A_269 = arith.addi %scan3A_83, %add3A_268 : i32
        %shift_right_arithmetic3A_270 = arith.constant 2 : i32
        %shift_right_arithmetic3A_271 = arith.shrsi %add3A_269, %shift_right_arithmetic3A_270 : i32
        %and3A_272 = arith.constant 3 : i32
        %and3A_273 = arith.andi %add3A_269, %and3A_272 : i32
        %mul3A_274 = arith.constant 2 : i32
        %mul3A_275 = arith.muli %and3A_273, %mul3A_274 : i32
        %add3A_276 = arith.constant 0 : i32
        %add3A_277 = arith.addi %mul3A_275, %add3A_276 : i32
        %dma_start3A_278 = arith.constant 256 : i32
        %dma_start3A_279 = arith.constant 0 : i32
        %dma_start3A_280 = tpu.memref_slice %arg8[%dma_start3A_278, %dma_start3A_279] : memref<768x64xf32, #tpu.memory_space<vmem>> -> memref<128x64xf32, #tpu.memory_space<vmem>>
        %dma_start3A_281 = arith.constant 0 : i32
        %dma_start3A_282 = tpu.memref_slice %arg6[%shift_right_arithmetic3A_271, %add3A_277, %dma_start3A_281] : memref<25x8x128xi32, #tpu.memory_space<vmem>> -> memref<1x1x128xi32, #tpu.memory_space<vmem>>
        %dma_start3A_283 = tpu.memref_squeeze %dma_start3A_282 : memref<1x1x128xi32, #tpu.memory_space<vmem>> -> memref<128xi32, #tpu.memory_space<vmem>>
        %dma_start3A_284 = arith.constant 0 : i32
        %dma_start3A_285 = arith.constant 0 : i32
        %dma_start3A_286 = tpu.memref_slice %arg3[%dma_start3A_284, %dma_start3A_285] : memref<100000x64xf32, #tpu.memory_space<hbm>> -> memref<100000x64xf32, #tpu.memory_space<hbm>>
        tpu.enqueue_indirect_dma source(%dma_start3A_286 : memref<100000x64xf32, #tpu.memory_space<hbm>>) target(%dma_start3A_280 : memref<128x64xf32, #tpu.memory_space<vmem>>) offsets(%dma_start3A_283 : memref<128xi32, #tpu.memory_space<vmem>>) semaphore(%arg11 : memref<!tpu.dma_semaphore, #tpu.memory_space<semaphore_mem>>)
        %add3A_287 = arith.constant 1 : i32
        %add3A_288 = arith.addi %mul3A_275, %add3A_287 : i32
        %dma_start3A_289 = arith.constant 384 : i32
        %dma_start3A_290 = arith.constant 0 : i32
        %dma_start3A_291 = tpu.memref_slice %arg8[%dma_start3A_289, %dma_start3A_290] : memref<768x64xf32, #tpu.memory_space<vmem>> -> memref<128x64xf32, #tpu.memory_space<vmem>>
        %dma_start3A_292 = arith.constant 0 : i32
        %dma_start3A_293 = tpu.memref_slice %arg6[%shift_right_arithmetic3A_271, %add3A_288, %dma_start3A_292] : memref<25x8x128xi32, #tpu.memory_space<vmem>> -> memref<1x1x128xi32, #tpu.memory_space<vmem>>
        %dma_start3A_294 = tpu.memref_squeeze %dma_start3A_293 : memref<1x1x128xi32, #tpu.memory_space<vmem>> -> memref<128xi32, #tpu.memory_space<vmem>>
        %dma_start3A_295 = arith.constant 0 : i32
        %dma_start3A_296 = arith.constant 0 : i32
        %dma_start3A_297 = tpu.memref_slice %arg3[%dma_start3A_295, %dma_start3A_296] : memref<100000x64xf32, #tpu.memory_space<hbm>> -> memref<100000x64xf32, #tpu.memory_space<hbm>>
        tpu.enqueue_indirect_dma source(%dma_start3A_297 : memref<100000x64xf32, #tpu.memory_space<hbm>>) target(%dma_start3A_291 : memref<128x64xf32, #tpu.memory_space<vmem>>) offsets(%dma_start3A_294 : memref<128xi32, #tpu.memory_space<vmem>>) semaphore(%arg11 : memref<!tpu.dma_semaphore, #tpu.memory_space<semaphore_mem>>)
      } else {
      }
      %add3A_108 = arith.constant 2 : i32
      %add3A_109 = arith.addi %scan3A_83, %add3A_108 : i32
      %rem3A_110 = arith.constant 3 : i32
      %rem3A_111 = arith.remsi %add3A_109, %rem3A_110 : i32
      %eq3A_112 = arith.constant 2 : i32
      %eq3A_113 = arith.cmpi eq, %rem3A_111, %eq3A_112 : i32
      %add3A_114 = arith.constant 2 : i32
      %add3A_115 = arith.addi %scan3A_83, %add3A_114 : i32
      %lt3A_116 = arith.constant 100 : i32
      %lt3A_117 = arith.cmpi slt, %add3A_115, %lt3A_116 : i32
      %and3A_118 = arith.andi %eq3A_113, %lt3A_117 : i1
      %convert_element_type3A_119 = arith.extui %and3A_118 : i1 to i32
      %cond3A_120 = arith.constant 0 : i32
      %cond3A_121 = arith.cmpi ne, %convert_element_type3A_119, %cond3A_120 : i32
      scf.if %cond3A_121 {
        %add3A_268 = arith.constant 2 : i32
        %add3A_269 = arith.addi %scan3A_83, %add3A_268 : i32
        %shift_right_arithmetic3A_270 = arith.constant 2 : i32
        %shift_right_arithmetic3A_271 = arith.shrsi %add3A_269, %shift_right_arithmetic3A_270 : i32
        %and3A_272 = arith.constant 3 : i32
        %and3A_273 = arith.andi %add3A_269, %and3A_272 : i32
        %mul3A_274 = arith.constant 2 : i32
        %mul3A_275 = arith.muli %and3A_273, %mul3A_274 : i32
        %add3A_276 = arith.constant 0 : i32
        %add3A_277 = arith.addi %mul3A_275, %add3A_276 : i32
        %dma_start3A_278 = arith.constant 512 : i32
        %dma_start3A_279 = arith.constant 0 : i32
        %dma_start3A_280 = tpu.memref_slice %arg8[%dma_start3A_278, %dma_start3A_279] : memref<768x64xf32, #tpu.memory_space<vmem>> -> memref<128x64xf32, #tpu.memory_space<vmem>>
        %dma_start3A_281 = arith.constant 0 : i32
        %dma_start3A_282 = tpu.memref_slice %arg6[%shift_right_arithmetic3A_271, %add3A_277, %dma_start3A_281] : memref<25x8x128xi32, #tpu.memory_space<vmem>> -> memref<1x1x128xi32, #tpu.memory_space<vmem>>
        %dma_start3A_283 = tpu.memref_squeeze %dma_start3A_282 : memref<1x1x128xi32, #tpu.memory_space<vmem>> -> memref<128xi32, #tpu.memory_space<vmem>>
        %dma_start3A_284 = arith.constant 0 : i32
        %dma_start3A_285 = arith.constant 0 : i32
        %dma_start3A_286 = tpu.memref_slice %arg3[%dma_start3A_284, %dma_start3A_285] : memref<100000x64xf32, #tpu.memory_space<hbm>> -> memref<100000x64xf32, #tpu.memory_space<hbm>>
        tpu.enqueue_indirect_dma source(%dma_start3A_286 : memref<100000x64xf32, #tpu.memory_space<hbm>>) target(%dma_start3A_280 : memref<128x64xf32, #tpu.memory_space<vmem>>) offsets(%dma_start3A_283 : memref<128xi32, #tpu.memory_space<vmem>>) semaphore(%arg12 : memref<!tpu.dma_semaphore, #tpu.memory_space<semaphore_mem>>)
        %add3A_287 = arith.constant 1 : i32
        %add3A_288 = arith.addi %mul3A_275, %add3A_287 : i32
        %dma_start3A_289 = arith.constant 640 : i32
        %dma_start3A_290 = arith.constant 0 : i32
        %dma_start3A_291 = tpu.memref_slice %arg8[%dma_start3A_289, %dma_start3A_290] : memref<768x64xf32, #tpu.memory_space<vmem>> -> memref<128x64xf32, #tpu.memory_space<vmem>>
        %dma_start3A_292 = arith.constant 0 : i32
        %dma_start3A_293 = tpu.memref_slice %arg6[%shift_right_arithmetic3A_271, %add3A_288, %dma_start3A_292] : memref<25x8x128xi32, #tpu.memory_space<vmem>> -> memref<1x1x128xi32, #tpu.memory_space<vmem>>
        %dma_start3A_294 = tpu.memref_squeeze %dma_start3A_293 : memref<1x1x128xi32, #tpu.memory_space<vmem>> -> memref<128xi32, #tpu.memory_space<vmem>>
        %dma_start3A_295 = arith.constant 0 : i32
        %dma_start3A_296 = arith.constant 0 : i32
        %dma_start3A_297 = tpu.memref_slice %arg3[%dma_start3A_295, %dma_start3A_296] : memref<100000x64xf32, #tpu.memory_space<hbm>> -> memref<100000x64xf32, #tpu.memory_space<hbm>>
        tpu.enqueue_indirect_dma source(%dma_start3A_297 : memref<100000x64xf32, #tpu.memory_space<hbm>>) target(%dma_start3A_291 : memref<128x64xf32, #tpu.memory_space<vmem>>) offsets(%dma_start3A_294 : memref<128xi32, #tpu.memory_space<vmem>>) semaphore(%arg12 : memref<!tpu.dma_semaphore, #tpu.memory_space<semaphore_mem>>)
      } else {
      }
      %eq3A_122 = arith.constant 0 : i32
      %eq3A_123 = arith.cmpi eq, %rem3A_84, %eq3A_122 : i32
      %convert_element_type3A_124 = arith.extui %eq3A_123 : i1 to i32
      %cond3A_125 = arith.constant 0 : i32
      %cond3A_126 = arith.cmpi ne, %convert_element_type3A_124, %cond3A_125 : i32
      scf.if %cond3A_126 {
        %dma_wait3A_268 = arith.constant 0 : i32
        %dma_wait3A_269 = arith.constant 0 : i32
        %dma_wait3A_270 = arith.constant 0 : i32
        %dma_wait3A_271 = arith.constant 0 : i32
        %dma_wait3A_272 = tpu.memref_slice %arg8[%dma_wait3A_270, %dma_wait3A_271] : memref<768x64xf32, #tpu.memory_space<vmem>> -> memref<128x64xf32, #tpu.memory_space<vmem>>
        %dma_wait3A_273 = arith.constant 0 : i32
        %dma_wait3A_274 = tpu.memref_slice %arg6[%dma_wait3A_268, %dma_wait3A_269, %dma_wait3A_273] : memref<25x8x128xi32, #tpu.memory_space<vmem>> -> memref<1x1x128xi32, #tpu.memory_space<vmem>>
        %dma_wait3A_275 = tpu.memref_squeeze %dma_wait3A_274 : memref<1x1x128xi32, #tpu.memory_space<vmem>> -> memref<128xi32, #tpu.memory_space<vmem>>
        %dma_wait3A_276 = arith.constant 0 : i32
        %dma_wait3A_277 = arith.constant 0 : i32
        %dma_wait3A_278 = tpu.memref_slice %arg3[%dma_wait3A_276, %dma_wait3A_277] : memref<100000x64xf32, #tpu.memory_space<hbm>> -> memref<100000x64xf32, #tpu.memory_space<hbm>>
        tpu.wait_indirect_dma semaphore(%arg10 : memref<!tpu.dma_semaphore, #tpu.memory_space<semaphore_mem>>) src(%dma_wait3A_278 : memref<100000x64xf32, #tpu.memory_space<hbm>>) dst(%dma_wait3A_272 : memref<128x64xf32, #tpu.memory_space<vmem>>)
        %dma_wait3A_279 = arith.constant 0 : i32
        %dma_wait3A_280 = arith.constant 0 : i32
        %dma_wait3A_281 = arith.constant 128 : i32
        %dma_wait3A_282 = arith.constant 0 : i32
        %dma_wait3A_283 = tpu.memref_slice %arg8[%dma_wait3A_281, %dma_wait3A_282] : memref<768x64xf32, #tpu.memory_space<vmem>> -> memref<128x64xf32, #tpu.memory_space<vmem>>
        %dma_wait3A_284 = arith.constant 0 : i32
        %dma_wait3A_285 = tpu.memref_slice %arg6[%dma_wait3A_279, %dma_wait3A_280, %dma_wait3A_284] : memref<25x8x128xi32, #tpu.memory_space<vmem>> -> memref<1x1x128xi32, #tpu.memory_space<vmem>>
        %dma_wait3A_286 = tpu.memref_squeeze %dma_wait3A_285 : memref<1x1x128xi32, #tpu.memory_space<vmem>> -> memref<128xi32, #tpu.memory_space<vmem>>
        %dma_wait3A_287 = arith.constant 0 : i32
        %dma_wait3A_288 = arith.constant 0 : i32
        %dma_wait3A_289 = tpu.memref_slice %arg3[%dma_wait3A_287, %dma_wait3A_288] : memref<100000x64xf32, #tpu.memory_space<hbm>> -> memref<100000x64xf32, #tpu.memory_space<hbm>>
        tpu.wait_indirect_dma semaphore(%arg10 : memref<!tpu.dma_semaphore, #tpu.memory_space<semaphore_mem>>) src(%dma_wait3A_289 : memref<100000x64xf32, #tpu.memory_space<hbm>>) dst(%dma_wait3A_283 : memref<128x64xf32, #tpu.memory_space<vmem>>)
      } else {
      }
      %eq3A_127 = arith.constant 1 : i32
      %eq3A_128 = arith.cmpi eq, %rem3A_84, %eq3A_127 : i32
      %convert_element_type3A_129 = arith.extui %eq3A_128 : i1 to i32
      %cond3A_130 = arith.constant 0 : i32
      %cond3A_131 = arith.cmpi ne, %convert_element_type3A_129, %cond3A_130 : i32
      scf.if %cond3A_131 {
        %dma_wait3A_268 = arith.constant 0 : i32
        %dma_wait3A_269 = arith.constant 0 : i32
        %dma_wait3A_270 = arith.constant 256 : i32
        %dma_wait3A_271 = arith.constant 0 : i32
        %dma_wait3A_272 = tpu.memref_slice %arg8[%dma_wait3A_270, %dma_wait3A_271] : memref<768x64xf32, #tpu.memory_space<vmem>> -> memref<128x64xf32, #tpu.memory_space<vmem>>
        %dma_wait3A_273 = arith.constant 0 : i32
        %dma_wait3A_274 = tpu.memref_slice %arg6[%dma_wait3A_268, %dma_wait3A_269, %dma_wait3A_273] : memref<25x8x128xi32, #tpu.memory_space<vmem>> -> memref<1x1x128xi32, #tpu.memory_space<vmem>>
        %dma_wait3A_275 = tpu.memref_squeeze %dma_wait3A_274 : memref<1x1x128xi32, #tpu.memory_space<vmem>> -> memref<128xi32, #tpu.memory_space<vmem>>
        %dma_wait3A_276 = arith.constant 0 : i32
        %dma_wait3A_277 = arith.constant 0 : i32
        %dma_wait3A_278 = tpu.memref_slice %arg3[%dma_wait3A_276, %dma_wait3A_277] : memref<100000x64xf32, #tpu.memory_space<hbm>> -> memref<100000x64xf32, #tpu.memory_space<hbm>>
        tpu.wait_indirect_dma semaphore(%arg11 : memref<!tpu.dma_semaphore, #tpu.memory_space<semaphore_mem>>) src(%dma_wait3A_278 : memref<100000x64xf32, #tpu.memory_space<hbm>>) dst(%dma_wait3A_272 : memref<128x64xf32, #tpu.memory_space<vmem>>)
        %dma_wait3A_279 = arith.constant 0 : i32
        %dma_wait3A_280 = arith.constant 0 : i32
        %dma_wait3A_281 = arith.constant 384 : i32
        %dma_wait3A_282 = arith.constant 0 : i32
        %dma_wait3A_283 = tpu.memref_slice %arg8[%dma_wait3A_281, %dma_wait3A_282] : memref<768x64xf32, #tpu.memory_space<vmem>> -> memref<128x64xf32, #tpu.memory_space<vmem>>
        %dma_wait3A_284 = arith.constant 0 : i32
        %dma_wait3A_285 = tpu.memref_slice %arg6[%dma_wait3A_279, %dma_wait3A_280, %dma_wait3A_284] : memref<25x8x128xi32, #tpu.memory_space<vmem>> -> memref<1x1x128xi32, #tpu.memory_space<vmem>>
        %dma_wait3A_286 = tpu.memref_squeeze %dma_wait3A_285 : memref<1x1x128xi32, #tpu.memory_space<vmem>> -> memref<128xi32, #tpu.memory_space<vmem>>
        %dma_wait3A_287 = arith.constant 0 : i32
        %dma_wait3A_288 = arith.constant 0 : i32
        %dma_wait3A_289 = tpu.memref_slice %arg3[%dma_wait3A_287, %dma_wait3A_288] : memref<100000x64xf32, #tpu.memory_space<hbm>> -> memref<100000x64xf32, #tpu.memory_space<hbm>>
        tpu.wait_indirect_dma semaphore(%arg11 : memref<!tpu.dma_semaphore, #tpu.memory_space<semaphore_mem>>) src(%dma_wait3A_289 : memref<100000x64xf32, #tpu.memory_space<hbm>>) dst(%dma_wait3A_283 : memref<128x64xf32, #tpu.memory_space<vmem>>)
      } else {
      }
      %eq3A_132 = arith.constant 2 : i32
      %eq3A_133 = arith.cmpi eq, %rem3A_84, %eq3A_132 : i32
      %convert_element_type3A_134 = arith.extui %eq3A_133 : i1 to i32
      %cond3A_135 = arith.constant 0 : i32
      %cond3A_136 = arith.cmpi ne, %convert_element_type3A_134, %cond3A_135 : i32
      scf.if %cond3A_136 {
        %dma_wait3A_268 = arith.constant 0 : i32
        %dma_wait3A_269 = arith.constant 0 : i32
        %dma_wait3A_270 = arith.constant 512 : i32
        %dma_wait3A_271 = arith.constant 0 : i32
        %dma_wait3A_272 = tpu.memref_slice %arg8[%dma_wait3A_270, %dma_wait3A_271] : memref<768x64xf32, #tpu.memory_space<vmem>> -> memref<128x64xf32, #tpu.memory_space<vmem>>
        %dma_wait3A_273 = arith.constant 0 : i32
        %dma_wait3A_274 = tpu.memref_slice %arg6[%dma_wait3A_268, %dma_wait3A_269, %dma_wait3A_273] : memref<25x8x128xi32, #tpu.memory_space<vmem>> -> memref<1x1x128xi32, #tpu.memory_space<vmem>>
        %dma_wait3A_275 = tpu.memref_squeeze %dma_wait3A_274 : memref<1x1x128xi32, #tpu.memory_space<vmem>> -> memref<128xi32, #tpu.memory_space<vmem>>
        %dma_wait3A_276 = arith.constant 0 : i32
        %dma_wait3A_277 = arith.constant 0 : i32
        %dma_wait3A_278 = tpu.memref_slice %arg3[%dma_wait3A_276, %dma_wait3A_277] : memref<100000x64xf32, #tpu.memory_space<hbm>> -> memref<100000x64xf32, #tpu.memory_space<hbm>>
        tpu.wait_indirect_dma semaphore(%arg12 : memref<!tpu.dma_semaphore, #tpu.memory_space<semaphore_mem>>) src(%dma_wait3A_278 : memref<100000x64xf32, #tpu.memory_space<hbm>>) dst(%dma_wait3A_272 : memref<128x64xf32, #tpu.memory_space<vmem>>)
        %dma_wait3A_279 = arith.constant 0 : i32
        %dma_wait3A_280 = arith.constant 0 : i32
        %dma_wait3A_281 = arith.constant 640 : i32
        %dma_wait3A_282 = arith.constant 0 : i32
        %dma_wait3A_283 = tpu.memref_slice %arg8[%dma_wait3A_281, %dma_wait3A_282] : memref<768x64xf32, #tpu.memory_space<vmem>> -> memref<128x64xf32, #tpu.memory_space<vmem>>
        %dma_wait3A_284 = arith.constant 0 : i32
        %dma_wait3A_285 = tpu.memref_slice %arg6[%dma_wait3A_279, %dma_wait3A_280, %dma_wait3A_284] : memref<25x8x128xi32, #tpu.memory_space<vmem>> -> memref<1x1x128xi32, #tpu.memory_space<vmem>>
        %dma_wait3A_286 = tpu.memref_squeeze %dma_wait3A_285 : memref<1x1x128xi32, #tpu.memory_space<vmem>> -> memref<128xi32, #tpu.memory_space<vmem>>
        %dma_wait3A_287 = arith.constant 0 : i32
        %dma_wait3A_288 = arith.constant 0 : i32
        %dma_wait3A_289 = tpu.memref_slice %arg3[%dma_wait3A_287, %dma_wait3A_288] : memref<100000x64xf32, #tpu.memory_space<hbm>> -> memref<100000x64xf32, #tpu.memory_space<hbm>>
        tpu.wait_indirect_dma semaphore(%arg12 : memref<!tpu.dma_semaphore, #tpu.memory_space<semaphore_mem>>) src(%dma_wait3A_289 : memref<100000x64xf32, #tpu.memory_space<hbm>>) dst(%dma_wait3A_283 : memref<128x64xf32, #tpu.memory_space<vmem>>)
      } else {
      }
      %and3A_137 = arith.constant 1 : i32
      %and3A_138 = arith.andi %scan3A_83, %and3A_137 : i32
      %eq3A_139 = arith.constant 0 : i32
      %eq3A_140 = arith.cmpi eq, %and3A_138, %eq3A_139 : i32
      %ge3A = arith.constant 2 : i32
      %ge3A_141 = arith.cmpi sge, %scan3A_83, %ge3A : i32
      %and3A_142 = arith.andi %eq3A_140, %ge3A_141 : i1
      %convert_element_type3A_143 = arith.extui %and3A_142 : i1 to i32
      %cond3A_144 = arith.constant 0 : i32
      %cond3A_145 = arith.cmpi ne, %convert_element_type3A_143, %cond3A_144 : i32
      scf.if %cond3A_145 {
        %sub3A = arith.constant 2 : i32
        %sub3A_268 = arith.subi %scan3A_83, %sub3A : i32
        %mul3A_269 = arith.constant 16 : i32
        %mul3A_270 = arith.muli %mul3A_269, %sub3A_268 : i32
        %dma_wait3A_271 = arith.constant 0 : i32
        %dma_wait3A_272 = arith.constant 0 : i32
        %dma_wait3A_273 = arith.constant 0 : i32
        %dma_wait3A_274 = tpu.memref_slice %arg9[%dma_wait3A_271, %dma_wait3A_272, %dma_wait3A_273] : memref<32x8x129xf32, #tpu.memory_space<vmem>> -> memref<16x8x128xf32, #tpu.memory_space<vmem>>
        %dma_wait3A_275 = arith.constant 0 : i32
        %dma_wait3A_276 = arith.constant 0 : i32
        %dma_wait3A_277 = tpu.memref_slice %arg5[%mul3A_270, %add3A, %dma_wait3A_275, %dma_wait3A_276] : memref<1600x32x8x128xf32, #tpu.memory_space<hbm>> -> memref<16x1x8x128xf32, #tpu.memory_space<hbm>>
        %dma_wait3A_278 = tpu.memref_squeeze %dma_wait3A_277 : memref<16x1x8x128xf32, #tpu.memory_space<hbm>> -> memref<16x8x128xf32, #tpu.memory_space<hbm>>
        %dma_wait3A_279 = arith.constant 0 : i32
        %dma_wait3A_280 = arith.constant 0 : i32
        %dma_wait3A_281 = tpu.memref_slice %arg5[%mul3A_270, %add3A, %dma_wait3A_279, %dma_wait3A_280] : memref<1600x32x8x128xf32, #tpu.memory_space<hbm>> -> memref<16x1x8x128xf32, #tpu.memory_space<hbm>>
        %dma_wait3A_282 = tpu.memref_squeeze %dma_wait3A_281 : memref<16x1x8x128xf32, #tpu.memory_space<hbm>> -> memref<16x8x128xf32, #tpu.memory_space<hbm>>
        %dma_wait3A_283 = arith.constant 0 : i32
        %dma_wait3A_284 = arith.constant 0 : i32
        %dma_wait3A_285 = arith.constant 0 : i32
        %dma_wait3A_286 = tpu.memref_slice %arg9[%dma_wait3A_283, %dma_wait3A_284, %dma_wait3A_285] : memref<32x8x129xf32, #tpu.memory_space<vmem>> -> memref<16x8x128xf32, #tpu.memory_space<vmem>>
        tpu.wait_dma2 semaphore(%arg13 : memref<!tpu.dma_semaphore, #tpu.memory_space<semaphore_mem>>) src(%dma_wait3A_286 : memref<16x8x128xf32, #tpu.memory_space<vmem>>) dst(%dma_wait3A_282 : memref<16x8x128xf32, #tpu.memory_space<hbm>>)
      } else {
      }
      %and3A_146 = arith.constant 1 : i32
      %and3A_147 = arith.andi %scan3A_83, %and3A_146 : i32
      %eq3A_148 = arith.constant 1 : i32
      %eq3A_149 = arith.cmpi eq, %and3A_147, %eq3A_148 : i32
      %ge3A_150 = arith.constant 2 : i32
      %ge3A_151 = arith.cmpi sge, %scan3A_83, %ge3A_150 : i32
      %and3A_152 = arith.andi %eq3A_149, %ge3A_151 : i1
      %convert_element_type3A_153 = arith.extui %and3A_152 : i1 to i32
      %cond3A_154 = arith.constant 0 : i32
      %cond3A_155 = arith.cmpi ne, %convert_element_type3A_153, %cond3A_154 : i32
      scf.if %cond3A_155 {
        %sub3A = arith.constant 2 : i32
        %sub3A_268 = arith.subi %scan3A_83, %sub3A : i32
        %mul3A_269 = arith.constant 16 : i32
        %mul3A_270 = arith.muli %mul3A_269, %sub3A_268 : i32
        %dma_wait3A_271 = arith.constant 16 : i32
        %dma_wait3A_272 = arith.constant 0 : i32
        %dma_wait3A_273 = arith.constant 0 : i32
        %dma_wait3A_274 = tpu.memref_slice %arg9[%dma_wait3A_271, %dma_wait3A_272, %dma_wait3A_273] : memref<32x8x129xf32, #tpu.memory_space<vmem>> -> memref<16x8x128xf32, #tpu.memory_space<vmem>>
        %dma_wait3A_275 = arith.constant 0 : i32
        %dma_wait3A_276 = arith.constant 0 : i32
        %dma_wait3A_277 = tpu.memref_slice %arg5[%mul3A_270, %add3A, %dma_wait3A_275, %dma_wait3A_276] : memref<1600x32x8x128xf32, #tpu.memory_space<hbm>> -> memref<16x1x8x128xf32, #tpu.memory_space<hbm>>
        %dma_wait3A_278 = tpu.memref_squeeze %dma_wait3A_277 : memref<16x1x8x128xf32, #tpu.memory_space<hbm>> -> memref<16x8x128xf32, #tpu.memory_space<hbm>>
        %dma_wait3A_279 = arith.constant 0 : i32
        %dma_wait3A_280 = arith.constant 0 : i32
        %dma_wait3A_281 = tpu.memref_slice %arg5[%mul3A_270, %add3A, %dma_wait3A_279, %dma_wait3A_280] : memref<1600x32x8x128xf32, #tpu.memory_space<hbm>> -> memref<16x1x8x128xf32, #tpu.memory_space<hbm>>
        %dma_wait3A_282 = tpu.memref_squeeze %dma_wait3A_281 : memref<16x1x8x128xf32, #tpu.memory_space<hbm>> -> memref<16x8x128xf32, #tpu.memory_space<hbm>>
        %dma_wait3A_283 = arith.constant 16 : i32
        %dma_wait3A_284 = arith.constant 0 : i32
        %dma_wait3A_285 = arith.constant 0 : i32
        %dma_wait3A_286 = tpu.memref_slice %arg9[%dma_wait3A_283, %dma_wait3A_284, %dma_wait3A_285] : memref<32x8x129xf32, #tpu.memory_space<vmem>> -> memref<16x8x128xf32, #tpu.memory_space<vmem>>
        tpu.wait_dma2 semaphore(%arg14 : memref<!tpu.dma_semaphore, #tpu.memory_space<semaphore_mem>>) src(%dma_wait3A_286 : memref<16x8x128xf32, #tpu.memory_space<vmem>>) dst(%dma_wait3A_282 : memref<16x8x128xf32, #tpu.memory_space<hbm>>)
      } else {
      }
      %mul3A_156 = arith.constant 256 : i32
      %mul3A_157 = arith.muli %rem3A_84, %mul3A_156 : i32
      %and3A_158 = arith.constant 1 : i32
      %and3A_159 = arith.andi %scan3A_83, %and3A_158 : i32
      %mul3A_160 = arith.constant 16 : i32
      %mul3A_161 = arith.muli %and3A_159, %mul3A_160 : i32
      %iota3A = tpu.iota {dimensions = array<i32: 0>} : vector<16xi32>
      %and3A_162 = arith.constant 7 : i32
      %and3A_163 = vector.broadcast %and3A_162 : i32 to vector<16xi32>
      %and3A_164 = arith.andi %iota3A, %and3A_163 : vector<16xi32>
      %shift_right_arithmetic3A = arith.constant 3 : i32
      %shift_right_arithmetic3A_165 = vector.broadcast %shift_right_arithmetic3A : i32 to vector<16xi32>
      %shift_right_arithmetic3A_166 = arith.shrsi %iota3A, %shift_right_arithmetic3A_165 : vector<16xi32>
      %add3A_167 = vector.broadcast %mul3A_161 : i32 to vector<16xi32>
      %add3A_168 = arith.addi %shift_right_arithmetic3A_166, %add3A_167 : vector<16xi32>
      %mul3A_169 = arith.constant 2 : i32
      %mul3A_170 = arith.muli %mul3A_169, %scan3A_83 : i32
      %add3A_171 = arith.constant 0 : i32
      %add3A_172 = arith.addi %mul3A_170, %add3A_171 : i32
      %get3A = arith.index_cast %add3A_172 : i32 to index
      %get3A_173 = arith.constant 0 : index
      %get3A_174 = tpu.vector_load %arg7[%get3A, %get3A_173] {strides = array<i32>} : memref<200x64xf32, #tpu.memory_space<vmem>>, vector<16xf32>,
      %mul3A_175 = arith.constant 2 : i32
      %mul3A_176 = arith.muli %mul3A_175, %scan3A_83 : i32
      %add3A_177 = arith.constant 0 : i32
      %add3A_178 = arith.addi %mul3A_176, %add3A_177 : i32
      %get3A_179 = arith.index_cast %add3A_178 : i32 to index
      %get3A_180 = arith.constant 16 : index
      %get3A_181 = tpu.vector_load %arg7[%get3A_179, %get3A_180] {strides = array<i32>} : memref<200x64xf32, #tpu.memory_space<vmem>>, vector<16xf32>,
      %mul3A_182 = arith.constant 2 : i32
      %mul3A_183 = arith.muli %mul3A_182, %scan3A_83 : i32
      %add3A_184 = arith.constant 0 : i32
      %add3A_185 = arith.addi %mul3A_183, %add3A_184 : i32
      %get3A_186 = arith.index_cast %add3A_185 : i32 to index
      %get3A_187 = arith.constant 32 : index
      %get3A_188 = tpu.vector_load %arg7[%get3A_186, %get3A_187] {strides = array<i32>} : memref<200x64xf32, #tpu.memory_space<vmem>>, vector<16xf32>,
      %mul3A_189 = arith.constant 2 : i32
      %mul3A_190 = arith.muli %mul3A_189, %scan3A_83 : i32
      %add3A_191 = arith.constant 0 : i32
      %add3A_192 = arith.addi %mul3A_190, %add3A_191 : i32
      %get3A_193 = arith.index_cast %add3A_192 : i32 to index
      %get3A_194 = arith.constant 48 : index
      %get3A_195 = tpu.vector_load %arg7[%get3A_193, %get3A_194] {strides = array<i32>} : memref<200x64xf32, #tpu.memory_space<vmem>>, vector<16xf32>,
      %mul3A_196 = arith.constant 2 : i32
      %mul3A_197 = arith.muli %mul3A_196, %scan3A_83 : i32
      %add3A_198 = arith.constant 1 : i32
      %add3A_199 = arith.addi %mul3A_197, %add3A_198 : i32
      %get3A_200 = arith.index_cast %add3A_199 : i32 to index
      %get3A_201 = arith.constant 0 : index
      %get3A_202 = tpu.vector_load %arg7[%get3A_200, %get3A_201] {strides = array<i32>} : memref<200x64xf32, #tpu.memory_space<vmem>>, vector<16xf32>,
      %mul3A_203 = arith.constant 2 : i32
      %mul3A_204 = arith.muli %mul3A_203, %scan3A_83 : i32
      %add3A_205 = arith.constant 1 : i32
      %add3A_206 = arith.addi %mul3A_204, %add3A_205 : i32
      %get3A_207 = arith.index_cast %add3A_206 : i32 to index
      %get3A_208 = arith.constant 16 : index
      %get3A_209 = tpu.vector_load %arg7[%get3A_207, %get3A_208] {strides = array<i32>} : memref<200x64xf32, #tpu.memory_space<vmem>>, vector<16xf32>,
      %mul3A_210 = arith.constant 2 : i32
      %mul3A_211 = arith.muli %mul3A_210, %scan3A_83 : i32
      %add3A_212 = arith.constant 1 : i32
      %add3A_213 = arith.addi %mul3A_211, %add3A_212 : i32
      %get3A_214 = arith.index_cast %add3A_213 : i32 to index
      %get3A_215 = arith.constant 32 : index
      %get3A_216 = tpu.vector_load %arg7[%get3A_214, %get3A_215] {strides = array<i32>} : memref<200x64xf32, #tpu.memory_space<vmem>>, vector<16xf32>,
      %mul3A_217 = arith.constant 2 : i32
      %mul3A_218 = arith.muli %mul3A_217, %scan3A_83 : i32
      %add3A_219 = arith.constant 1 : i32
      %add3A_220 = arith.addi %mul3A_218, %add3A_219 : i32
      %get3A_221 = arith.index_cast %add3A_220 : i32 to index
      %get3A_222 = arith.constant 48 : index
      %get3A_223 = tpu.vector_load %arg7[%get3A_221, %get3A_222] {strides = array<i32>} : memref<200x64xf32, #tpu.memory_space<vmem>>, vector<16xf32>,
      %add3A_224 = arith.constant 0 : i32
      %add3A_225 = vector.broadcast %add3A_224 : i32 to vector<16xi32>
      %add3A_226 = arith.addi %add3A_168, %add3A_225 : vector<16xi32>
      %add3A_227 = arith.constant 2 : i32
      %add3A_228 = vector.broadcast %add3A_227 : i32 to vector<16xi32>
      %add3A_229 = arith.addi %add3A_168, %add3A_228 : vector<16xi32>
      %add3A_230 = arith.constant 4 : i32
      %add3A_231 = vector.broadcast %add3A_230 : i32 to vector<16xi32>
      %add3A_232 = arith.addi %add3A_168, %add3A_231 : vector<16xi32>
      %add3A_233 = arith.constant 6 : i32
      %add3A_234 = vector.broadcast %add3A_233 : i32 to vector<16xi32>
      %add3A_235 = arith.addi %add3A_168, %add3A_234 : vector<16xi32>
      %add3A_236 = arith.constant 8 : i32
      %add3A_237 = vector.broadcast %add3A_236 : i32 to vector<16xi32>
      %add3A_238 = arith.addi %add3A_168, %add3A_237 : vector<16xi32>
      %add3A_239 = arith.constant 10 : i32
      %add3A_240 = vector.broadcast %add3A_239 : i32 to vector<16xi32>
      %add3A_241 = arith.addi %add3A_168, %add3A_240 : vector<16xi32>
      %add3A_242 = arith.constant 12 : i32
      %add3A_243 = vector.broadcast %add3A_242 : i32 to vector<16xi32>
      %add3A_244 = arith.addi %add3A_168, %add3A_243 : vector<16xi32>
      %add3A_245 = arith.constant 14 : i32
      %add3A_246 = vector.broadcast %add3A_245 : i32 to vector<16xi32>
      %add3A_247 = arith.addi %add3A_168, %add3A_246 : vector<16xi32>
      %and3A_248 = arith.constant 0 : i32
      %and3A_249 = vector.broadcast %and3A_248 : i32 to vector<16xi32>
      %and3A_250 = arith.andi %iota3A, %and3A_249 : vector<16xi32>
      %parallel_loop3A = arith.constant 0 : i32
      %parallel_loop3A_251 = arith.constant 128 : i32
      %parallel_loop3A_252 = arith.constant 1 : i32
      %parallel_loop3A_253 = scf.for %parallel_loop3A_268 = %parallel_loop3A to %parallel_loop3A_251 step %parallel_loop3A_252 iter_args(%parallel_loop3A_269 = %and3A_250) -> (vector<16xi32>)  : i32 {
        %parallel_loop3A_270 = arith.constant 0 : i32
        %parallel_loop3A_271 = arith.addi %mul3A_157, %parallel_loop3A_270 : i32
        %parallel_loop3A_272 = arith.addi %parallel_loop3A_271, %parallel_loop3A_268 : i32
        %parallel_loop3A_273 = arith.index_cast %parallel_loop3A_272 : i32 to index
        %parallel_loop3A_274 = arith.constant 0 : index
        %parallel_loop3A_275 = tpu.vector_load %arg8[%parallel_loop3A_273, %parallel_loop3A_274] {strides = array<i32>} : memref<768x64xf32, #tpu.memory_space<vmem>>, vector<16xf32>,
        %parallel_loop3A_276 = arith.addf %parallel_loop3A_275, %get3A_174 : vector<16xf32>
        tpu.vector_store_idx %arg9[%add3A_226, %and3A_164, %parallel_loop3A_269], %parallel_loop3A_276 : memref<32x8x129xf32, #tpu.memory_space<vmem>>[vector<16xi32>, vector<16xi32>, vector<16xi32>], vector<16xf32>,
        %parallel_loop3A_277 = arith.index_cast %parallel_loop3A_272 : i32 to index
        %parallel_loop3A_278 = arith.constant 16 : index
        %parallel_loop3A_279 = tpu.vector_load %arg8[%parallel_loop3A_277, %parallel_loop3A_278] {strides = array<i32>} : memref<768x64xf32, #tpu.memory_space<vmem>>, vector<16xf32>,
        %parallel_loop3A_280 = arith.addf %parallel_loop3A_279, %get3A_181 : vector<16xf32>
        tpu.vector_store_idx %arg9[%add3A_229, %and3A_164, %parallel_loop3A_269], %parallel_loop3A_280 : memref<32x8x129xf32, #tpu.memory_space<vmem>>[vector<16xi32>, vector<16xi32>, vector<16xi32>], vector<16xf32>,
        %parallel_loop3A_281 = arith.index_cast %parallel_loop3A_272 : i32 to index
        %parallel_loop3A_282 = arith.constant 32 : index
        %parallel_loop3A_283 = tpu.vector_load %arg8[%parallel_loop3A_281, %parallel_loop3A_282] {strides = array<i32>} : memref<768x64xf32, #tpu.memory_space<vmem>>, vector<16xf32>,
        %parallel_loop3A_284 = arith.addf %parallel_loop3A_283, %get3A_188 : vector<16xf32>
        tpu.vector_store_idx %arg9[%add3A_232, %and3A_164, %parallel_loop3A_269], %parallel_loop3A_284 : memref<32x8x129xf32, #tpu.memory_space<vmem>>[vector<16xi32>, vector<16xi32>, vector<16xi32>], vector<16xf32>,
        %parallel_loop3A_285 = arith.index_cast %parallel_loop3A_272 : i32 to index
        %parallel_loop3A_286 = arith.constant 48 : index
        %parallel_loop3A_287 = tpu.vector_load %arg8[%parallel_loop3A_285, %parallel_loop3A_286] {strides = array<i32>} : memref<768x64xf32, #tpu.memory_space<vmem>>, vector<16xf32>,
        %parallel_loop3A_288 = arith.addf %parallel_loop3A_287, %get3A_195 : vector<16xf32>
        tpu.vector_store_idx %arg9[%add3A_235, %and3A_164, %parallel_loop3A_269], %parallel_loop3A_288 : memref<32x8x129xf32, #tpu.memory_space<vmem>>[vector<16xi32>, vector<16xi32>, vector<16xi32>], vector<16xf32>,
        %parallel_loop3A_289 = arith.constant 128 : i32
        %parallel_loop3A_290 = arith.addi %mul3A_157, %parallel_loop3A_289 : i32
        %parallel_loop3A_291 = arith.addi %parallel_loop3A_290, %parallel_loop3A_268 : i32
        %parallel_loop3A_292 = arith.index_cast %parallel_loop3A_291 : i32 to index
        %parallel_loop3A_293 = arith.constant 0 : index
        %parallel_loop3A_294 = tpu.vector_load %arg8[%parallel_loop3A_292, %parallel_loop3A_293] {strides = array<i32>} : memref<768x64xf32, #tpu.memory_space<vmem>>, vector<16xf32>,
        %parallel_loop3A_295 = arith.addf %parallel_loop3A_294, %get3A_202 : vector<16xf32>
        tpu.vector_store_idx %arg9[%add3A_238, %and3A_164, %parallel_loop3A_269], %parallel_loop3A_295 : memref<32x8x129xf32, #tpu.memory_space<vmem>>[vector<16xi32>, vector<16xi32>, vector<16xi32>], vector<16xf32>,
        %parallel_loop3A_296 = arith.index_cast %parallel_loop3A_291 : i32 to index
        %parallel_loop3A_297 = arith.constant 16 : index
        %parallel_loop3A_298 = tpu.vector_load %arg8[%parallel_loop3A_296, %parallel_loop3A_297] {strides = array<i32>} : memref<768x64xf32, #tpu.memory_space<vmem>>, vector<16xf32>,
        %parallel_loop3A_299 = arith.addf %parallel_loop3A_298, %get3A_209 : vector<16xf32>
        tpu.vector_store_idx %arg9[%add3A_241, %and3A_164, %parallel_loop3A_269], %parallel_loop3A_299 : memref<32x8x129xf32, #tpu.memory_space<vmem>>[vector<16xi32>, vector<16xi32>, vector<16xi32>], vector<16xf32>,
        %parallel_loop3A_300 = arith.index_cast %parallel_loop3A_291 : i32 to index
        %parallel_loop3A_301 = arith.constant 32 : index
        %parallel_loop3A_302 = tpu.vector_load %arg8[%parallel_loop3A_300, %parallel_loop3A_301] {strides = array<i32>} : memref<768x64xf32, #tpu.memory_space<vmem>>, vector<16xf32>,
        %parallel_loop3A_303 = arith.addf %parallel_loop3A_302, %get3A_216 : vector<16xf32>
        tpu.vector_store_idx %arg9[%add3A_244, %and3A_164, %parallel_loop3A_269], %parallel_loop3A_303 : memref<32x8x129xf32, #tpu.memory_space<vmem>>[vector<16xi32>, vector<16xi32>, vector<16xi32>], vector<16xf32>,
        %parallel_loop3A_304 = arith.index_cast %parallel_loop3A_291 : i32 to index
        %parallel_loop3A_305 = arith.constant 48 : index
        %parallel_loop3A_306 = tpu.vector_load %arg8[%parallel_loop3A_304, %parallel_loop3A_305] {strides = array<i32>} : memref<768x64xf32, #tpu.memory_space<vmem>>, vector<16xf32>,
        %parallel_loop3A_307 = arith.addf %parallel_loop3A_306, %get3A_223 : vector<16xf32>
        tpu.vector_store_idx %arg9[%add3A_247, %and3A_164, %parallel_loop3A_269], %parallel_loop3A_307 : memref<32x8x129xf32, #tpu.memory_space<vmem>>[vector<16xi32>, vector<16xi32>, vector<16xi32>], vector<16xf32>,
        %parallel_loop3A_308 = arith.constant 1 : i32
        %parallel_loop3A_309 = vector.broadcast %parallel_loop3A_308 : i32 to vector<16xi32>
        %parallel_loop3A_310 = arith.addi %parallel_loop3A_269, %parallel_loop3A_309 : vector<16xi32>
        scf.yield %parallel_loop3A_310 : vector<16xi32>
      } {sc.loop_unroll_factor = 4 : i64, sc.parallel_access}
      %and3A_254 = arith.constant 1 : i32
      %and3A_255 = arith.andi %scan3A_83, %and3A_254 : i32
      %eq3A_256 = arith.constant 0 : i32
      %eq3A_257 = arith.cmpi eq, %and3A_255, %eq3A_256 : i32
      %convert_element_type3A_258 = arith.extui %eq3A_257 : i1 to i32
      %cond3A_259 = arith.constant 0 : i32
      %cond3A_260 = arith.cmpi ne, %convert_element_type3A_258, %cond3A_259 : i32
      scf.if %cond3A_260 {
        %mul3A_268 = arith.constant 16 : i32
        %mul3A_269 = arith.muli %mul3A_268, %scan3A_83 : i32
        %dma_start3A_270 = arith.constant 0 : i32
        %dma_start3A_271 = arith.constant 0 : i32
        %dma_start3A_272 = arith.constant 0 : i32
        %dma_start3A_273 = tpu.memref_slice %arg9[%dma_start3A_270, %dma_start3A_271, %dma_start3A_272] : memref<32x8x129xf32, #tpu.memory_space<vmem>> -> memref<16x8x128xf32, #tpu.memory_space<vmem>>
        %dma_start3A_274 = arith.constant 0 : i32
        %dma_start3A_275 = arith.constant 0 : i32
        %dma_start3A_276 = tpu.memref_slice %arg5[%mul3A_269, %add3A, %dma_start3A_274, %dma_start3A_275] : memref<1600x32x8x128xf32, #tpu.memory_space<hbm>> -> memref<16x1x8x128xf32, #tpu.memory_space<hbm>>
        %dma_start3A_277 = tpu.memref_squeeze %dma_start3A_276 : memref<16x1x8x128xf32, #tpu.memory_space<hbm>> -> memref<16x8x128xf32, #tpu.memory_space<hbm>>
        %dma_start3A_278 = arith.constant 0 : i32
        %dma_start3A_279 = arith.constant 0 : i32
        %dma_start3A_280 = tpu.memref_slice %arg5[%mul3A_269, %add3A, %dma_start3A_278, %dma_start3A_279] : memref<1600x32x8x128xf32, #tpu.memory_space<hbm>> -> memref<16x1x8x128xf32, #tpu.memory_space<hbm>>
        %dma_start3A_281 = tpu.memref_squeeze %dma_start3A_280 : memref<16x1x8x128xf32, #tpu.memory_space<hbm>> -> memref<16x8x128xf32, #tpu.memory_space<hbm>>
        %dma_start3A_282 = arith.constant 0 : i32
        %dma_start3A_283 = arith.constant 0 : i32
        %dma_start3A_284 = arith.constant 0 : i32
        %dma_start3A_285 = tpu.memref_slice %arg9[%dma_start3A_282, %dma_start3A_283, %dma_start3A_284] : memref<32x8x129xf32, #tpu.memory_space<vmem>> -> memref<16x8x128xf32, #tpu.memory_space<vmem>>
        tpu.enqueue_dma source(%dma_start3A_285 : memref<16x8x128xf32, #tpu.memory_space<vmem>>) target(%dma_start3A_281 : memref<16x8x128xf32, #tpu.memory_space<hbm>>) target_semaphore(%arg13 : memref<!tpu.dma_semaphore, #tpu.memory_space<semaphore_mem>>)
      } else {
      }
      %and3A_261 = arith.constant 1 : i32
      %and3A_262 = arith.andi %scan3A_83, %and3A_261 : i32
      %eq3A_263 = arith.constant 1 : i32
      %eq3A_264 = arith.cmpi eq, %and3A_262, %eq3A_263 : i32
      %convert_element_type3A_265 = arith.extui %eq3A_264 : i1 to i32
      %cond3A_266 = arith.constant 0 : i32
      %cond3A_267 = arith.cmpi ne, %convert_element_type3A_265, %cond3A_266 : i32
      scf.if %cond3A_267 {
        %mul3A_268 = arith.constant 16 : i32
        %mul3A_269 = arith.muli %mul3A_268, %scan3A_83 : i32
        %dma_start3A_270 = arith.constant 16 : i32
        %dma_start3A_271 = arith.constant 0 : i32
        %dma_start3A_272 = arith.constant 0 : i32
        %dma_start3A_273 = tpu.memref_slice %arg9[%dma_start3A_270, %dma_start3A_271, %dma_start3A_272] : memref<32x8x129xf32, #tpu.memory_space<vmem>> -> memref<16x8x128xf32, #tpu.memory_space<vmem>>
        %dma_start3A_274 = arith.constant 0 : i32
        %dma_start3A_275 = arith.constant 0 : i32
        %dma_start3A_276 = tpu.memref_slice %arg5[%mul3A_269, %add3A, %dma_start3A_274, %dma_start3A_275] : memref<1600x32x8x128xf32, #tpu.memory_space<hbm>> -> memref<16x1x8x128xf32, #tpu.memory_space<hbm>>
        %dma_start3A_277 = tpu.memref_squeeze %dma_start3A_276 : memref<16x1x8x128xf32, #tpu.memory_space<hbm>> -> memref<16x8x128xf32, #tpu.memory_space<hbm>>
        %dma_start3A_278 = arith.constant 0 : i32
        %dma_start3A_279 = arith.constant 0 : i32
        %dma_start3A_280 = tpu.memref_slice %arg5[%mul3A_269, %add3A, %dma_start3A_278, %dma_start3A_279] : memref<1600x32x8x128xf32, #tpu.memory_space<hbm>> -> memref<16x1x8x128xf32, #tpu.memory_space<hbm>>
        %dma_start3A_281 = tpu.memref_squeeze %dma_start3A_280 : memref<16x1x8x128xf32, #tpu.memory_space<hbm>> -> memref<16x8x128xf32, #tpu.memory_space<hbm>>
        %dma_start3A_282 = arith.constant 16 : i32
        %dma_start3A_283 = arith.constant 0 : i32
        %dma_start3A_284 = arith.constant 0 : i32
        %dma_start3A_285 = tpu.memref_slice %arg9[%dma_start3A_282, %dma_start3A_283, %dma_start3A_284] : memref<32x8x129xf32, #tpu.memory_space<vmem>> -> memref<16x8x128xf32, #tpu.memory_space<vmem>>
        tpu.enqueue_dma source(%dma_start3A_285 : memref<16x8x128xf32, #tpu.memory_space<vmem>>) target(%dma_start3A_281 : memref<16x8x128xf32, #tpu.memory_space<hbm>>) target_semaphore(%arg14 : memref<!tpu.dma_semaphore, #tpu.memory_space<semaphore_mem>>)
      } else {
      }
    }
    %scan3A_47 = arith.constant 100 : i32
    %dma_wait3A = arith.constant 0 : i32
    %dma_wait3A_48 = arith.constant 0 : i32
    %dma_wait3A_49 = arith.constant 0 : i32
    %dma_wait3A_50 = tpu.memref_slice %arg9[%dma_wait3A, %dma_wait3A_48, %dma_wait3A_49] : memref<32x8x129xf32, #tpu.memory_space<vmem>> -> memref<16x8x128xf32, #tpu.memory_space<vmem>>
    %dma_wait3A_51 = arith.constant 1568 : i32
    %dma_wait3A_52 = arith.constant 0 : i32
    %dma_wait3A_53 = arith.constant 0 : i32
    %dma_wait3A_54 = tpu.memref_slice %arg5[%dma_wait3A_51, %add3A, %dma_wait3A_52, %dma_wait3A_53] : memref<1600x32x8x128xf32, #tpu.memory_space<hbm>> -> memref<16x1x8x128xf32, #tpu.memory_space<hbm>>
    %dma_wait3A_55 = tpu.memref_squeeze %dma_wait3A_54 : memref<16x1x8x128xf32, #tpu.memory_space<hbm>> -> memref<16x8x128xf32, #tpu.memory_space<hbm>>
    %dma_wait3A_56 = arith.constant 1568 : i32
    %dma_wait3A_57 = arith.constant 0 : i32
    %dma_wait3A_58 = arith.constant 0 : i32
    %dma_wait3A_59 = tpu.memref_slice %arg5[%dma_wait3A_56, %add3A, %dma_wait3A_57, %dma_wait3A_58] : memref<1600x32x8x128xf32, #tpu.memory_space<hbm>> -> memref<16x1x8x128xf32, #tpu.memory_space<hbm>>
    %dma_wait3A_60 = tpu.memref_squeeze %dma_wait3A_59 : memref<16x1x8x128xf32, #tpu.memory_space<hbm>> -> memref<16x8x128xf32, #tpu.memory_space<hbm>>
    %dma_wait3A_61 = arith.constant 0 : i32
    %dma_wait3A_62 = arith.constant 0 : i32
    %dma_wait3A_63 = arith.constant 0 : i32
    %dma_wait3A_64 = tpu.memref_slice %arg9[%dma_wait3A_61, %dma_wait3A_62, %dma_wait3A_63] : memref<32x8x129xf32, #tpu.memory_space<vmem>> -> memref<16x8x128xf32, #tpu.memory_space<vmem>>
    tpu.wait_dma2 semaphore(%arg13 : memref<!tpu.dma_semaphore, #tpu.memory_space<semaphore_mem>>) src(%dma_wait3A_64 : memref<16x8x128xf32, #tpu.memory_space<vmem>>) dst(%dma_wait3A_60 : memref<16x8x128xf32, #tpu.memory_space<hbm>>)
    %dma_wait3A_65 = arith.constant 16 : i32
    %dma_wait3A_66 = arith.constant 0 : i32
    %dma_wait3A_67 = arith.constant 0 : i32
    %dma_wait3A_68 = tpu.memref_slice %arg9[%dma_wait3A_65, %dma_wait3A_66, %dma_wait3A_67] : memref<32x8x129xf32, #tpu.memory_space<vmem>> -> memref<16x8x128xf32, #tpu.memory_space<vmem>>
    %dma_wait3A_69 = arith.constant 1584 : i32
    %dma_wait3A_70 = arith.constant 0 : i32
    %dma_wait3A_71 = arith.constant 0 : i32
    %dma_wait3A_72 = tpu.memref_slice %arg5[%dma_wait3A_69, %add3A, %dma_wait3A_70, %dma_wait3A_71] : memref<1600x32x8x128xf32, #tpu.memory_space<hbm>> -> memref<16x1x8x128xf32, #tpu.memory_space<hbm>>
    %dma_wait3A_73 = tpu.memref_squeeze %dma_wait3A_72 : memref<16x1x8x128xf32, #tpu.memory_space<hbm>> -> memref<16x8x128xf32, #tpu.memory_space<hbm>>
    %dma_wait3A_74 = arith.constant 1584 : i32
    %dma_wait3A_75 = arith.constant 0 : i32
    %dma_wait3A_76 = arith.constant 0 : i32
    %dma_wait3A_77 = tpu.memref_slice %arg5[%dma_wait3A_74, %add3A, %dma_wait3A_75, %dma_wait3A_76] : memref<1600x32x8x128xf32, #tpu.memory_space<hbm>> -> memref<16x1x8x128xf32, #tpu.memory_space<hbm>>
    %dma_wait3A_78 = tpu.memref_squeeze %dma_wait3A_77 : memref<16x1x8x128xf32, #tpu.memory_space<hbm>> -> memref<16x8x128xf32, #tpu.memory_space<hbm>>
    %dma_wait3A_79 = arith.constant 16 : i32
    %dma_wait3A_80 = arith.constant 0 : i32
    %dma_wait3A_81 = arith.constant 0 : i32
    %dma_wait3A_82 = tpu.memref_slice %arg9[%dma_wait3A_79, %dma_wait3A_80, %dma_wait3A_81] : memref<32x8x129xf32, #tpu.memory_space<vmem>> -> memref<16x8x128xf32, #tpu.memory_space<vmem>>
    tpu.wait_dma2 semaphore(%arg14 : memref<!tpu.dma_semaphore, #tpu.memory_space<semaphore_mem>>) src(%dma_wait3A_82 : memref<16x8x128xf32, #tpu.memory_space<vmem>>) dst(%dma_wait3A_78 : memref<16x8x128xf32, #tpu.memory_space<hbm>>)
    return
  }
}

</mosaic_0001>

<sc_bundles>
// kernel: _embed.3.cloned.1.call-start
scs
__scs_entry_jumppad:
0x0: {  	(pc) =	sbr.rel $0x88, $3  }
0x1: {  	(tag) =	ssettag $0x0;
	lr =	simm.s32 $0x1  }
0x2: {  	[smem:$0x3F9E] =	sst lr;
	_ =	strace $0xD0000000  }
0x3: {  	_ = 	snop  }
0x4: {  	_ = 	snop  }
0x5: {  	_ = 	snop  }
0x6: {  	_ = 	snop  }
0x7: {  	_ = 	snop  }
__scs_overlays_trampoline_lowered:
0x8: {  	[smem:$0x3FAD] =	sst s0  }
0x9: {  	[smem:$0x3FAE] =	sst s1  }
0xa: {  	[smem:$0x3FAF] =	sst s2  }
0xb: {  	[smem:$0x3FB0] =	sst s3  }
0xc: {  	[smem:$0x3FB1] =	sst s4  }
0xd: {  	[smem:$0x3FB2] =	sst s5  }
0xe: {  	[smem:$0x3FB3] =	sst s6  }
0xf: {  	[smem:$0x3FB4] =	sst s7  }
0x10: {  	[smem:$0x3FB5] =	sst s8  }
0x11: {  	[smem:$0x3FB6] =	sst s9;
	s0 =	simm.s32 @!p0 $0x0  }
0x12: {  	s1 =	sld [smem:$0x3F9C];
	s0 =	simm.s32 @p0 $0x1  }
0x13: {  	[smem:$0x3FB7] =	sst s0;
	s0 =	simm.s32 @!p1 $0x0  }
0x14: {  	s2 =	sld [smem:$0x3F9B];
	s0 =	simm.s32 @p1 $0x1  }
0x15: {  	[smem:$0x3FB8] =	sst s0;
	s0 =	simm.s32 @!p2 $0x0  }
0x16: {  	s3 =	sld [smem:$0x3FDB];
	s0 =	simm.s32 @p2 $0x1  }
0x17: {  	s4 =	simm.s32 $0x1BF5;
	[smem:$0x3FBA] =	sst s0  }
0x18: {  	s0 =	sld [smem:$0x3F9D];
	_ =	swait.ge [sflag:s4], $0x0  }
0x19: {  	s7 =	sld [smem:$0x3F9E]  }
0x1a: {  	s8 =	sadd.s32 $0xFFFFE003, lr  }
0x1b: {  	s9 =	sadd.s32 $0xFFFFFEF7, lr;
	s5 =	simm.s32 $0xFFFFFFFF;
	p2 =	slt.u32 s8, $0xFFFFF086  }
0x1c: {  	p1 =	slt.u32 s9, $0xF7A;
	s5 =	simm.s32 @!p2 $0x0  }
0x1d: {  	s5 =	simm.s32 @p1 $0x1;
	p0 =	seq.s32 s7, s2  }
0x1e: {  	s7 =	smul.u32 @!p0 $0xF7A, s2;
	p2 =	seq.s32 @!p0 s5, $0x0  }
0x1f: {  	s9 =	smul.u32 $0xF7A, s1;
	s8 =	simm.s32 @!p0 $0x1BF5;
	p2 =	por !p2, p0  }
0x20: {  	[sflag:s8] =	ssyncset.s32 @!p0 $0xFFFFF086;
	s6 =	sadd.s32 @!p0 s3, s7;
	s7 =	simm.s32 @!p0 $0x108  }
0x21: {  	s3 =	sadd.s32 s3, s9;
	s6 =	sadd.s32 @!p0 $0x88, s6;
	s7 =	simm.s32 @p2 $0x1082  }
0x22: {  	[simem:s7], [sflag:s8] =	dma.local @!p0 [hbm:s6], $0xF7A  }
0x23: {  	s9 =	sor.u32 $0xD0000000, s2;
	s6 =	simm.s32 $0x108;
	_ =	swait.ge @!p0 [sflag:s8], $0x0  }
0x24: {  	s3 =	sadd.s32 $0x88, s3;
	s6 =	simm.s32 @!p1 $0x1082;
	[sflag:s4] =	ssyncset.s32 $0xFFFFF086  }
0x25: {  	[simem:s6], [sflag:s4] =	dma.local [hbm:s3], $0xF7A  }
0x26: {  	[smem:$0x3F9E] =	sst s1;
	(tag) =	ssettag s2;
	_ =	strace s9  }
0x27: {  	s1 =	sld [smem:$0x3FAE]  }
0x28: {  	s2 =	sld [smem:$0x3FAF]  }
0x29: {  	s4 =	sld [smem:$0x3FB1]  }
0x2a: {  	p0 =	seq.s32 s5, $0x0;
	s5 =	sld [smem:$0x3FB2]  }
0x2b: {  	s6 =	sld [smem:$0x3FB3]  }
0x2c: {  	s7 =	sld [smem:$0x3FB4]  }
0x2d: {  	s3 =	simm.s32 $0x108;
	s8 =	sld [smem:$0x3FB5]  }
0x2e: {  	s3 =	simm.s32 @!p0 $0x1082;
	s9 =	sld [smem:$0x3FB6]  }
0x2f: {  	lr =	sadd.s32 s0, s3;
	s0 =	sld [smem:$0x3FAD]  }
0x30: {  	s3 =	sld [smem:$0x3FB0]  }
0x31: {  	[smem:$0x3FB9] =	sst s10  }
0x32: {  	s10 =	sld [smem:$0x3FB7];
	_ =	sdelay $0x3  }
0x33: {  	p0 =	seq.s32 s10, $0x1;
	s10 =	sld [smem:$0x3FB9];
	_ =	sdelay $0x3  }
0x34: {  	[smem:$0x3FB9] =	sst s10  }
0x35: {  	s10 =	sld [smem:$0x3FB8];
	_ =	sdelay $0x3  }
0x36: {  	p1 =	seq.s32 s10, $0x1;
	s10 =	sld [smem:$0x3FB9];
	_ =	sdelay $0x3  }
0x37: {  	[smem:$0x3FB9] =	sst s10  }
0x38: {  	s10 =	sld [smem:$0x3FBA]  }
0x39: {  	_ = 	snop;
	(pc) =	sbr.ind lr, $3  }
0x3a: {  	_ = 	snop  }
0x3b: {  	_ = 	snop  }
0x3c: {  	p2 =	seq.s32 s10, $0x1;
	s10 =	sld [smem:$0x3FB9]  }
0x3d: {  	_ =	shalt  }
0x3e: {  	_ =	shalt  }
0x3f: {  	_ =	shalt  }
0x40: {  	_ =	shalt  }
0x41: {  	_ =	shalt  }
0x42: {  	_ =	shalt  }
0x43: {  	_ =	shalt  }
0x44: {  	_ =	shalt  }
0x45: {  	_ =	shalt  }
0x46: {  	_ =	shalt  }
0x47: {  	_ =	shalt  }
0x48: {  	_ =	shalt  }
0x49: {  	_ =	shalt  }
0x4a: {  	_ =	shalt  }
0x4b: {  	_ =	shalt  }
0x4c: {  	_ =	shalt  }
0x4d: {  	_ =	shalt  }
0x4e: {  	_ =	shalt  }
0x4f: {  	_ =	shalt  }
0x50: {  	_ =	shalt  }
0x51: {  	_ =	shalt  }
0x52: {  	_ =	shalt  }
0x53: {  	_ =	shalt  }
0x54: {  	_ =	shalt  }
0x55: {  	_ =	shalt  }
0x56: {  	_ =	shalt  }
0x57: {  	_ =	shalt  }
0x58: {  	_ =	shalt  }
0x59: {  	_ =	shalt  }
0x5a: {  	_ =	shalt  }
0x5b: {  	_ =	shalt  }
0x5c: {  	_ =	shalt  }
0x5d: {  	_ =	shalt  }
0x5e: {  	_ =	shalt  }
0x5f: {  	_ =	shalt  }
0x60: {  	_ =	shalt  }
0x61: {  	_ =	shalt  }
0x62: {  	_ =	shalt  }
0x63: {  	_ =	shalt  }
0x64: {  	_ =	shalt  }
0x65: {  	_ =	shalt  }
0x66: {  	_ =	shalt  }
0x67: {  	_ =	shalt  }
0x68: {  	_ =	shalt  }
0x69: {  	_ =	shalt  }
0x6a: {  	_ =	shalt  }
0x6b: {  	_ =	shalt  }
0x6c: {  	_ =	shalt  }
0x6d: {  	_ =	shalt  }
0x6e: {  	_ =	shalt  }
0x6f: {  	_ =	shalt  }
0x70: {  	_ =	shalt  }
0x71: {  	_ =	shalt  }
0x72: {  	_ =	shalt  }
0x73: {  	_ =	shalt  }
0x74: {  	_ =	shalt  }
0x75: {  	_ =	shalt  }
0x76: {  	_ =	shalt  }
0x77: {  	_ =	shalt  }
0x78: {  	_ =	shalt  }
0x79: {  	_ =	shalt  }
0x7a: {  	_ =	shalt  }
0x7b: {  	_ =	shalt  }
0x7c: {  	_ =	shalt  }
0x7d: {  	_ =	shalt  }
0x7e: {  	_ =	shalt  }
0x7f: {  	_ =	shalt  }
0x80: {  	_ =	shalt  }
0x81: {  	_ =	shalt  }
0x82: {  	_ =	shalt  }
0x83: {  	_ =	shalt  }
0x84: {  	_ =	shalt  }
0x85: {  	_ =	shalt  }
0x86: {  	_ =	shalt  }
0x87: {  	_ =	shalt  }
.Lfunc_end0:
.L_simem_size_0:
called_computation_lowered:
.L_overlay_start_0:
0x88: {  	s2 =	sld [smem:$0x3FD9]  }
0x89: {  	s3 =	sld [smem:$0x3FFE];
	_ =	sdelay $0x1  }
0x8a: {  	s1 =	srdreg.scid  }
0x8b: {  	s0 =	sand.u32 $0x1, s1  }
0x8c: {  	s17 =	sshll.u32 s0, $0xA;
	s2 =	sadd.s32 s3, s2  }
0x8d: {  	s2 =	sadd.s32 s2, s17  }
0x8e: {  	[smem:$0x3FC5] =	sst s2  }
0x8f: {  	_ = 	snop  }
0x90: {  	s2 =	sld [smem:$0x3FC9]  }
0x91: {  	s18 =	sld [smem:$0x3FD0];
	(tm) =	ssettm $0x1  }
0x92: {  	s4 =	sld [smem:$0x3FFB];
	_ =	sdelay $0x3  }
0x93: {  	_ =	strace s4  }
0x94: {  	s4 =	sld [smem:$0x3FFC];
	_ =	sdelay $0x3  }
0x95: {  	_ =	strace s4  }
0x96: {  	s4 =	sld [smem:$0x3FFD];
	_ =	sdelay $0x3  }
0x97: {  	_ =	strace s4  }
0x98: {  	_ =	strace $0x8FFFFFFF  }
0x99: {  	s19 =	sld [smem:$0x3FDB];
	_ =	sdelay $0x1  }
0x9a: {  	s5 =	simm.s32 $_scs_section_size  }
0x9b: {  	s6 =	simm.s32 $_size__tile_overlayer_lowered;
	s7 =	simm.s32 $_tile_overlayer_lowered  }
0x9c: {  	s22 =	simm.s32 $0x1BFF;
	s21 =	sshll.u32 s7, $0x1;
	s4 =	sadd.s32 s5, s19  }
0x9d: {  	s8 =	simm.s32 $0x0;
	s20 =	sshll.u32 s6, $0x1;
	s6 =	sadd.s32 s21, s4  }
0x9e: {  	[timem:s8], [sflag:s22] =	dma.local [hbm:s6], s20  }
0x9f: {  	_ =	swait.ge [sflag:s22], s20  }
0xa0: {  	s5 =	ssub.s32 $0x0, s20;
	[sflag:s22] =	ssyncset.done $0x0  }
0xa1: {  	[sflag:s22] =	ssyncadd.s32 s5;
	_ =	sdelay $0x1  }
0xa2: {  	s23 =	simm.s32 $0x1B8B  }
0xa3: {  	_ =	swait.ge [sflag:s23], $0x1  }
0xa4: {  	[sflag:s23] =	ssyncset.done $0x0  }
0xa5: {  	s25 =	simm.s32 $0x1B8E;
	s24 =	sld [smem:$0x3FFE];
	[sflag:s23] =	ssyncadd.s32 $0xFFFFFFFF  }
0xa6: {  	s26 =	simm.s32 $execute0_lowered;
	[smem:$0x3FD2] =	sst s25  }
0xa7: {  	s6 =	sshll.u32 s26, $0x1;
	_ =	strace $0x80000046;
	[dreg:$0x1] =	wrdreg $0xFFFFFFFF  }
0xa8: {  	s28 =	simm.s32 $_size_execute0_lowered;
	s4 =	sadd.s32 s4, s6;
	[dreg:$0x0] =	wrdreg $0x0  }
0xa9: {  	s6 =	sshll.u32 s28, $0x1;
	[dreg:$0x2] =	wrdreg s4  }
0xaa: {  	[dreg:$0x3] =	wrdreg s6  }
0xab: {  	[dreg:$0x4] =	wrdreg $0xC0  }
0xac: {  	_ =	task [dreg:s8], $0x5FFFF  }
0xad: {  	[dreg:$0x1] =	wrdreg $0xFFFFFFFF  }
0xae: {  	[dreg:$0x0] =	wrdreg $0x60  }
0xaf: {  	[dreg:$0x2] =	wrdreg s2  }
0xb0: {  	[dreg:$0x3] =	wrdreg s24  }
0xb1: {  	[dreg:$0x4] =	wrdreg s18  }
0xb2: {  	[dreg:$0x5] =	wrdreg $0x9  }
0xb3: {  	_ =	task.clear_ibuf [dreg:s8], $0x6FFFF;
	_ =	strace $0x90000046  }
0xb4: {  	s29 =	simm.s32 $0x9;
	_ =	strace $0x80000048  }
0xb5: {  	_ =	swait.ge [sflag:s29], $0x1  }
0xb6: {  	[sflag:s29] =	ssyncadd.s32 $0xFFFFFFFF  }
0xb7: {  	_ =	strace $0x90000048  }
0xb8: {  	_ =	sfence  }
0xb9: {  	s30 =	sld [smem:$0x0];
	_ =	sdelay $0x2  }
0xba: {  	s31 =	sshll.u32 s1, $0xD;
	s1 =	sshrl.u32 s1, $0x2  }
0xbb: {  	s3 =	sand.u32 $0x4000, s31;
	s1 =	sadd.s32 s1, s30  }
0xbc: {  	s0 =	sor.u32 s3, s0;
	s1 =	sshll.u32 s1, $0x11  }
0xbd: {  	s0 =	sor.u32 s1, s0  }
0xbe: {  	s0 =	sadd.s32 $0x8F2B, s0  }
0xbf: {  	[sflag:s0] =	ssyncadd.remote.s32 $0x1  }
0xc0: {  	_ =	sfence.sel $0xFFFF  }
0xc1: {  	[dreg:$0x0] =	wrdreg $0xFFFFFFFF;
	(pc) =	sbr.abs _section_cstart, $3  }
0xc2: {  	[dreg:$0x1] =	wrdreg $0xFFFFFFFF  }
0xc3: {  	_ =	task.clear_ibuf [dreg:s8], $0x2FFFF;
	_ =	strace $0x9FFFFFFF  }
0xc4: {  	(tm) =	ssettm $0x7FFFFFFF  }
0xc5: {  	_ =	shalt  }
tec
execute0_lowered:
.L_overlay_start_1:
0x0: {  	(tag) =	ssettag $0x1  }
0x1: {  	s0 =	rddreg [dreg:$0x0]  }
0x2: {  	s6 =	rddreg [dreg:$0x1]  }
0x3: {  	s1 =	rddreg [dreg:$0x2]  }
0x4: {  	s3 =	simm.s32 $0x0;
	s4 =	srdreg.scid;
	s2 =	stileid.u32  }
0x5: {  	s9 =	simm.s32 $0x400;
	s10 =	simm.s32 $0x8000;
	s11 =	simm.s32 $0x6  }
0x6: {  	s12 =	simm.s32 $0x6400;
	s13 =	simm.s32 $0x80;
	s14 =	simm.s32 $0xB600  }
0x7: {  	s15 =	simm.s32 $0x100;
	s16 =	simm.s32 $0xD600;
	s17 =	simm.s32 $0x180  }
0x8: {  	s18 =	simm.s32 $0xF600;
	s19 =	simm.s32 $0x9600;
	s20 =	simm.s32 $0x15600  }
0x9: {  	v0 =	vlaneseq.u32;
	s21 =	simm.s32 $0x4;
	s22 =	simm.s32 $0x5;
	s23 =	simm.s32 $0x0  }
.Ltmp0:
0xa: {  	[smem:$0x7FF] =	sst s3;
	s4 =	sand.u32 $0x1, s4;
	v0 =	vmul.u32 $0x88, v0;
	(pc) =	sbr.rel .LBB2_1-.Ltmp0, $4  }
0xb: {  	s5 =	sshll.u32 s2, $0xB;
	s7 =	ssub.s32 $0x2, s4;
	s4 =	sshll.u32 s4, $0xA  }
0xc: {  	_ =	strace $0x80000047;
	s8 =	sshrl.u32 s7, $0x1;
	s4 =	sor.u32 s4, s5;
	v1 =	vadd.s32 $0x880, v0  }
0xd: {  	s5 =	sadd.s32 $0xC00, s6;
	v3 =	vadd.s32 $0x1980, v0;
	v4 =	vadd.s32 $0x2200, v0;
	s8 =	ssub.s32 s7, s8;
	s31 =	sshrl.u32 s4, $0x3;
	[tilespmem:$0x1FFE0] =	vst v1;
	v1 =	vadd.s32 $0x1100, v0  }
0xe: {  	s6 =	sadd.s32 $0x400, s6;
	v5 =	vadd.s32 $0x2A80, v0;
	v6 =	vadd.s32 $0x3300, v0;
	v2 =	vmovc v0;
	v7 =	vadd.s32 $0x3B80, v0;
	s7 =	sadd.s32 s0, s31;
	s8 =	smax.u32 s8, $0x1;
	[tilespmem:$0x1FFF0] =	vst v1  }
.LBB2_18:
0xf: {  	s23 =	sadd.s32 $0x1, s23  }
0x10: {  	_ =	swait.ge [sflag:s21], $0x4000;
	p0 =	sne.s32 s23, s8  }
.Ltmp1:
0x11: {  	[sflag:s21] =	ssyncset.done $0x0;
	(pc) =	sbr.rel @!p0 .LBB2_19-.Ltmp1, $4  }
0x12: {  	[sflag:s21] =	ssyncadd.s32 $0xFFFFC000  }
0x13: {  	_ =	swait.ge [sflag:s22], $0x4000  }
0x14: {  	[sflag:s22] =	ssyncset.done $0x0  }
0x15: {  	[sflag:s22] =	ssyncadd.s32 $0xFFFFC000  }
.LBB2_1:
0x16: {  	[tilespmem:s3], [sflag:$0x6] =	stream.strided.gather [hbm4b:s7+s9], $0x6400, s10, s9, $0x38;
	[tilespmem:$0x1DE00] =	vst v63  }
0x17: {  	_ =	swait.ge [sflag:s11], $0x6400  }
0x18: {  	[sflag:s11] =	ssyncset.done $0x0  }
0x19: {  	[sflag:s11] =	ssyncadd.s32 $0xFFFF9C00  }
0x1a: {  	[tilespmem:s12], [sflag:$0x6] =	stream.linear.gather [hbm4b:s6+s3], $0x3200, $0x38;
	[tilespmem:$0x1DE00] =	vst v63  }
0x1b: {  	_ =	swait.ge [sflag:s11], $0x3200  }
0x1c: {  	[sflag:s11] =	ssyncset.done $0x0  }
0x1d: {  	[sflag:s11] =	ssyncadd.s32 $0xFFFFCE00  }
0x1e: {  	[tilespmem:s19], [sflag:$0x1] =	stream.indirect.gather [hbm4b:s5+s13], $0x40, s3, s13, $0xb8;
	[tilespmem:$0x1DE00] =	vst v63  }
0x1f: {  	_ = 	snop  }
0x20: {  	[tilespmem:s14], [sflag:$0x1] =	stream.indirect.gather [hbm4b:s5+s13], $0x40, s13, s13, $0xb8;
	[tilespmem:$0x1DE00] =	vst v63  }
.Ltmp2:
0x21: {  	_ = 	snop;
	(pc) =	sbr.rel .LBB2_2-.Ltmp2, $4  }
0x22: {  	_ = 	snop  }
0x23: {  	[tilespmem:s16], [sflag:$0x2] =	stream.indirect.gather [hbm4b:s5+s13], $0x40, s15, s13, $0xb8;
	[tilespmem:$0x1DE00] =	vst v63  }
0x24: {  	s24 =	simm.s32 $0x9600;
	s25 =	simm.s32 $0x0  }
0x25: {  	[tilespmem:s18], [sflag:$0x2] =	stream.indirect.gather [hbm4b:s5+s13], $0x40, s17, s13, $0xb8;
	[tilespmem:$0x1DE00] =	vst v63  }
.LBB2_17:
0x26: {  	s25 =	sadd.s32 $0x1, s25  }
0x27: {  	p0 =	sne.s32 s25, $0x64  }
.Ltmp3:
0x28: {  	_ = 	snop;
	(pc) =	sbr.rel @!p0 .LBB2_18-.Ltmp3, $2  }
0x29: {  	_ =	sdelay $0x2  }
0x2a: {  	s24 =	sadd.s32 $0x4000, s24  }
.LBB2_2:
0x2b: {  	s26 =	smul.u32 $0xAB, s25;
	_ =	sdelay $0x1  }
0x2c: {  	s0 =	sadd.s32 $0x156, s26  }
0x2d: {  	s0 =	sshrl.u32 s0, $0x9  }
0x2e: {  	s0 =	sand.u32 $0x7F, s0  }
0x2f: {  	s0 =	smul.u32 $0x3, s0  }
0x30: {  	s28 =	sadd.s32 $0x2, s25  }
0x31: {  	p0 =	sgt.u32 s25, $0x61;
	s0 =	ssub.s32 s28, s0  }
0x32: {  	s29 =	sand.u32 @!p0 $0xFF, s0  }
0x33: {  	p1 =	sne.s32 @!p0 s29, $0x0  }
0x34: {  	p1 =	por p0, p1  }
.Ltmp4:
0x35: {  	_ = 	snop;
	(pc) =	sbr.rel @p1 .LBB2_4-.Ltmp4, $1  }
0x36: {  	_ =	sdelay $0x3  }
.Ltmp5:
0x37: {  	s0 =	sshll.u32 s28, $0x8;
	(pc) =	sbr.rel .LBB2_7-.Ltmp5, $4  }
0x38: {  	s0 =	sand.u32 $0xFF00, s0  }
0x39: {  	[tilespmem:s19], [sflag:$0x1] =	stream.indirect.gather [hbm4b:s5+s13], $0x40, s0, s13, $0xb8;
	[tilespmem:$0x1DE00] =	vst v63  }
0x3a: {  	s0 =	sor.u32 $0x80, s0  }
0x3b: {  	[tilespmem:s14], [sflag:$0x1] =	stream.indirect.gather [hbm4b:s5+s13], $0x40, s0, s13, $0xb8;
	[tilespmem:$0x1DE00] =	vst v63  }
.LBB2_4:
0x3c: {  	p1 =	sne.s32 @!p0 s29, $0x1  }
0x3d: {  	p1 =	por p0, p1  }
.Ltmp6:
0x3e: {  	_ = 	snop;
	(pc) =	sbr.rel @p1 .LBB2_6-.Ltmp6, $1  }
0x3f: {  	_ =	sdelay $0x3  }
.Ltmp7:
0x40: {  	s0 =	sshll.u32 s28, $0x8;
	(pc) =	sbr.rel .LBB2_7-.Ltmp7, $4  }
0x41: {  	s0 =	sand.u32 $0xFF00, s0  }
0x42: {  	[tilespmem:s16], [sflag:$0x2] =	stream.indirect.gather [hbm4b:s5+s13], $0x40, s0, s13, $0xb8;
	[tilespmem:$0x1DE00] =	vst v63  }
0x43: {  	s0 =	sor.u32 $0x80, s0  }
0x44: {  	[tilespmem:s18], [sflag:$0x2] =	stream.indirect.gather [hbm4b:s5+s13], $0x40, s0, s13, $0xb8;
	[tilespmem:$0x1DE00] =	vst v63  }
.LBB2_6:
0x45: {  	p1 =	sne.s32 @!p0 s29, $0x2  }
0x46: {  	p0 =	por p1, p0  }
0x47: {  	s0 =	sshll.u32 @!p0 s28, $0x8  }
0x48: {  	s28 =	simm.s32 @!p0 $0x80;
	s29 =	simm.s32 @!p0 $0x11600;
	s0 =	sand.u32 @!p0 $0xFF00, s0  }
0x49: {  	[tilespmem:s29], [sflag:$0x3] =	stream.indirect.gather @!p0 [hbm4b:s5+s28], $0x40, s0, s28, $0xb8;
	[tilespmem:$0x1DE00] =	vst v63  }
0x4a: {  	s0 =	sor.u32 @!p0 $0x80, s0;
	s29 =	simm.s32 @!p0 $0x13600  }
0x4b: {  	[tilespmem:s29], [sflag:$0x3] =	stream.indirect.gather @!p0 [hbm4b:s5+s28], $0x40, s0, s28, $0xb8;
	[tilespmem:$0x1DE00] =	vst v63  }
.LBB2_7:
0x4c: {  	s0 =	sshrl.u32 s26, $0x9  }
0x4d: {  	s0 =	sand.u32 $0x7F, s0  }
0x4e: {  	s0 =	smul.u32 $0x3, s0;
	_ =	sdelay $0x1  }
0x4f: {  	s0 =	ssub.s32 s25, s0  }
0x50: {  	s0 =	sand.u32 $0xFF, s0  }
0x51: {  	p0 =	seq.s32 s0, $0x0  }
0x52: {  	p1 =	seq.s32 @!p0 s0, $0x2  }
0x53: {  	p1 =	por !p1, p0  }
0x54: {  	s29 =	simm.s32 @!p1 $0x3  }
0x55: {  	s29 =	simm.s32 @p1 $0x2  }
0x56: {  	s26 =	smulhi.u32 $0xAAAAAAAB, s25;
	s29 =	simm.s32 @p0 $0x1  }
0x57: {  	_ =	swait.ge [sflag:s29], $0x2000  }
0x58: {  	s0 =	sshrl.u32 s26, $0x1;
	[sflag:s29] =	ssyncset.done $0x0  }
0x59: {  	s26 =	sand.u32 $0x1, s25;
	p1 =	slt.u32 s25, $0x2;
	[sflag:s29] =	ssyncadd.s32 $0xFFFFE000  }
0x5a: {  	p0 =	sne.s32 @!p1 s26, $0x0;
	_ =	swait.ge [sflag:s29], $0x2000  }
0x5b: {  	s28 =	smul.u32 $0xFFFD0000, s0;
	p2 =	por p0, p1;
	[sflag:s29] =	ssyncset.done $0x0  }
0x5c: {  	s0 =	simm.s32 @!p2 $0x4;
	[sflag:s29] =	ssyncadd.s32 $0xFFFFE000  }
0x5d: {  	s28 =	sshra.s32 s28, $0x2;
	p0 =	seq.s32 s26, $0x1;
	_ =	swait.ge @!p2 [sflag:s0], $0x4000  }
0x5e: {  	p1 =	por !p0, p1;
	s29 =	sshll.u32 s26, $0x4;
	[sflag:s0] =	ssyncset.done @!p2 $0x0  }
0x5f: {  	v8 =	vmov s28;
	v9 =	vmov s29;
	[sflag:s0] =	ssyncadd.s32 @!p2 $0xFFFFC000;
	s0 =	simm.s32 @!p1 $0x5  }
0x60: {  	v9 =	vmul.u32 $0x440, v9;
	_ =	swait.ge @!p1 [sflag:s0], $0x4000  }
0x61: {  	s30 =	sshll.u32 s25, $0x7;
	[sflag:s0] =	ssyncset.done @!p1 $0x0  }
0x62: {  	s31 =	sand.u32 $0x3FFFFF80, s30;
	v24 =	vbroadcast v9, $0x0;
	[sflag:s0] =	ssyncadd.s32 @!p1 $0xFFFFC000  }
0x63: {  	v25 =	vimm.s32 $0x0;
	v13 =	vld [tilespmem:s31+$0x6400]  }
0x64: {  	v26 =	vand.u32 $0xFFFFFFF8, v25;
	v17 =	vadd.s32 v2, v24;
	v18 =	vld.idx.msk [tilespmem:v8+s24+$0x0 ss:$0x1], $0xffff  }
0x65: {  	v27 =	vand.u32 $0x4, v25;
	v15 =	vld [tilespmem:s31+$0x6410];
	v19 =	vadd.s32 v17, v26  }
0x66: {  	v16 =	vld [tilespmem:s31+$0x6420];
	v20 =	vor.u32 v19, v27  }
0x67: {  	v14 =	vld [tilespmem:s31+$0x6430]  }
0x68: {  	v12 =	vld [tilespmem:s31+$0x6440]  }
0x69: {  	v11 =	vld [tilespmem:s31+$0x6450];
	v18 =	vadd.f32 v18, v13  }
0x6a: {  	v10 =	vld [tilespmem:s31+$0x6460]  }
0x6b: {  	v9 =	vld [tilespmem:s31+$0x6470];
	[tilespmem:v20+s20+$0x0] =	vst.idx.msk $0xffff, v18  }
0x6c: {  	v0 =	vld [tilespmem:$0x1FFE0];
	_ =	sdelay $0x1  }
0x6d: {  	v21 =	vld.idx.msk [tilespmem:v8+s24+$0xC0 ss:$0x1], $0xffff  }
0x6e: {  	v29 =	vor.u32 $0x3, v27;
	v22 =	vld.idx.msk [tilespmem:v8+s24+$0x80 ss:$0x1], $0xffff  }
0x6f: {  	v30 =	vor.u32 $0x2, v27;
	v28 =	vld.idx.msk [tilespmem:v8+s24+$0x40 ss:$0x1], $0xffff;
	v23 =	vor.u32 v19, v29  }
0x70: {  	v31 =	vor.u32 $0x1, v27;
	v20 =	vor.u32 v19, v30;
	v32 =	vld.idx.msk [tilespmem:v8+s24+$0x10 ss:$0x1], $0xffff;
	v18 =	vadd.s32 v0, v24  }
0x71: {  	v19 =	vor.u32 v19, v31;
	v33 =	vadd.s32 v18, v26  }
0x72: {  	v21 =	vadd.f32 v21, v13;
	v34 =	vor.u32 v33, v27  }
0x73: {  	v22 =	vadd.f32 v22, v13  }
0x74: {  	[tilespmem:v23+s20+$0x0] =	vst.idx.msk $0xffff, v21;
	v21 =	vadd.f32 v28, v13  }
0x75: {  	[tilespmem:v20+s20+$0x0] =	vst.idx.msk $0xffff, v22;
	v20 =	vadd.f32 v32, v15  }
0x76: {  	[tilespmem:v19+s20+$0x0] =	vst.idx.msk $0xffff, v21  }
0x77: {  	v52 =	vld.idx.msk [tilespmem:v8+s24+$0x50 ss:$0x1], $0xffff;
	[tilespmem:v34+s20+$0x0] =	vst.idx.msk $0xffff, v20  }
0x78: {  	v0 =	vld [tilespmem:$0x1FFF0]  }
0x79: {  	v23 =	vld.idx.msk [tilespmem:v8+s24+$0xD0 ss:$0x1], $0xffff  }
0x7a: {  	v22 =	vor.u32 v33, v29;
	v53 =	vor.u32 v33, v30;
	v33 =	vor.u32 v33, v31  }
0x7b: {  	v28 =	vld.idx.msk [tilespmem:v8+s24+$0x90 ss:$0x1], $0xffff;
	_ =	sdelay $0x1  }
0x7c: {  	v32 =	vadd.f32 v52, v15;
	v35 =	vld.idx.msk [tilespmem:v8+s24+$0x20 ss:$0x1], $0xffff;
	v19 =	vadd.s32 v0, v24  }
0x7d: {  	v23 =	vadd.f32 v23, v15;
	v36 =	vadd.s32 v19, v26  }
0x7e: {  	v21 =	vadd.s32 v4, v24;
	[tilespmem:v33+s20+$0x0] =	vst.idx.msk $0xffff, v32;
	v37 =	vor.u32 v36, v27  }
0x7f: {  	v42 =	vadd.s32 v21, v26;
	v28 =	vadd.f32 v28, v15;
	[tilespmem:v22+s20+$0x0] =	vst.idx.msk $0xffff, v23;
	v39 =	vld.idx.msk [tilespmem:v8+s24+$0x60 ss:$0x1], $0xffff  }
0x80: {  	v43 =	vor.u32 v42, v27;
	v38 =	vld.idx.msk [tilespmem:v8+s24+$0xE0 ss:$0x1], $0xffff  }
0x81: {  	[tilespmem:v53+s20+$0x0] =	vst.idx.msk $0xffff, v28;
	v28 =	vadd.f32 v35, v16;
	v55 =	vor.u32 v36, v31  }
0x82: {  	v44 =	vor.u32 v42, v29;
	v45 =	vor.u32 v42, v31;
	v54 =	vor.u32 v36, v29  }
0x83: {  	v42 =	vor.u32 v42, v30;
	v20 =	vadd.s32 v3, v24;
	v56 =	vld.idx.msk [tilespmem:v8+s24+$0xA0 ss:$0x1], $0xffff;
	[tilespmem:v37+s20+$0x0] =	vst.idx.msk $0xffff, v28  }
0x84: {  	v22 =	vadd.s32 v5, v24;
	v23 =	vadd.s32 v6, v24;
	v39 =	vadd.f32 v39, v16;
	v41 =	vld.idx.msk [tilespmem:v8+s24+$0x30 ss:$0x1], $0xffff  }
0x85: {  	v58 =	vadd.s32 v20, v26;
	v38 =	vadd.f32 v38, v16;
	v57 =	vor.u32 v36, v30  }
0x86: {  	v40 =	vor.u32 v58, v29;
	v28 =	vor.u32 v58, v27;
	[tilespmem:v55+s20+$0x0] =	vst.idx.msk $0xffff, v39  }
0x87: {  	v59 =	vadd.s32 v22, v26;
	v60 =	vadd.s32 v23, v26;
	[tilespmem:v54+s20+$0x0] =	vst.idx.msk $0xffff, v38;
	v48 =	vld.idx.msk [tilespmem:v8+s24+$0x70 ss:$0x1], $0xffff  }
0x88: {  	v47 =	vor.u32 v59, v27;
	v50 =	vor.u32 v60, v30;
	v32 =	vadd.f32 v56, v16;
	v46 =	vld.idx.msk [tilespmem:v8+s24+$0xF0 ss:$0x1], $0xffff  }
0x89: {  	s28 =	sadd.s32 $0x100, s24;
	v24 =	vadd.s32 v7, v24;
	v36 =	vor.u32 v58, v31;
	v61 =	vadd.f32 v41, v14  }
0x8a: {  	v63 =	vld.idx.msk [tilespmem:v8+s28+$0x0 ss:$0x1], $0xffff;
	v51 =	vor.u32 v60, v29;
	v26 =	vadd.s32 v24, v26;
	[tilespmem:v57+s20+$0x0] =	vst.idx.msk $0xffff, v32  }
0x8b: {  	v37 =	vor.u32 v58, v30;
	v39 =	vor.u32 v60, v27;
	v62 =	vld.idx.msk [tilespmem:v8+s24+$0xB0 ss:$0x1], $0xffff;
	[tilespmem:v28+s20+$0x0] =	vst.idx.msk $0xffff, v61  }
0x8c: {  	v55 =	vor.u32 v26, v27;
	v27 =	vadd.f32 v48, v14;
	v28 =	vadd.s32 $0x4, v25;
	v49 =	vld.idx.msk [tilespmem:v8+s24+$0x2000 ss:$0x1], $0xffff  }
0x8d: {  	v32 =	vor.u32 v60, v31;
	v25 =	vadd.f32 v46, v14;
	v46 =	vand.u32 $0xFFFFFFF8, v28  }
0x8e: {  	v54 =	vld.idx.msk [tilespmem:v8+s28+$0xC0 ss:$0x1], $0xffff;
	[tilespmem:v36+s20+$0x0] =	vst.idx.msk $0xffff, v27;
	v52 =	vand.u32 $0x4, v28;
	v53 =	vadd.s32 v17, v46  }
0x8f: {  	v36 =	vld.idx.msk [tilespmem:v8+s28+$0x40 ss:$0x1], $0xffff;
	[tilespmem:v40+s20+$0x0] =	vst.idx.msk $0xffff, v25;
	v56 =	vor.u32 $0x3, v52;
	v25 =	vor.u32 v53, v52  }
0x90: {  	v35 =	vadd.f32 v62, v14;
	v38 =	vld.idx.msk [tilespmem:v8+s24+$0x2040 ss:$0x1], $0xffff;
	v58 =	vor.u32 $0x1, v52;
	v60 =	vor.u32 v53, v56  }
0x91: {  	v27 =	vadd.f32 v63, v13;
	v40 =	vld.idx.msk [tilespmem:v8+s24+$0x20C0 ss:$0x1], $0xffff;
	v63 =	vor.u32 v53, v58;
	v61 =	vadd.f32 v49, v12  }
0x92: {  	v33 =	vor.u32 v59, v31;
	v34 =	vor.u32 v59, v29;
	v48 =	vld.idx.msk [tilespmem:v8+s28+$0x80 ss:$0x1], $0xffff;
	[tilespmem:v37+s20+$0x0] =	vst.idx.msk $0xffff, v35  }
0x93: {  	v41 =	vor.u32 v59, v30;
	v59 =	vadd.f32 v54, v13;
	v57 =	vor.u32 $0x2, v52;
	[tilespmem:v43+s20+$0x0] =	vst.idx.msk $0xffff, v61  }
0x94: {  	v62 =	vld.idx.msk [tilespmem:v8+s24+$0x2080 ss:$0x1], $0xffff;
	v37 =	vor.u32 v53, v57;
	v36 =	vadd.f32 v36, v13;
	[tilespmem:v25+s20+$0x0] =	vst.idx.msk $0xffff, v27  }
0x95: {  	v38 =	vadd.f32 v38, v12;
	v25 =	vor.u32 v26, v30;
	[tilespmem:v60+s20+$0x0] =	vst.idx.msk $0xffff, v59;
	v30 =	vld.idx.msk [tilespmem:v8+s24+$0x2010 ss:$0x1], $0xffff  }
0x96: {  	v27 =	vor.u32 v26, v31;
	v31 =	vadd.f32 v40, v12;
	[tilespmem:v63+s20+$0x0] =	vst.idx.msk $0xffff, v36;
	v60 =	vld.idx.msk [tilespmem:v8+s28+$0x10 ss:$0x1], $0xffff  }
0x97: {  	v26 =	vor.u32 v26, v29;
	v29 =	vadd.f32 v48, v13;
	[tilespmem:v45+s20+$0x0] =	vst.idx.msk $0xffff, v38;
	v48 =	vld.idx.msk [tilespmem:v8+s28+$0x50 ss:$0x1], $0xffff  }
0x98: {  	v59 =	vld.idx.msk [tilespmem:v8+s24+$0x2050 ss:$0x1], $0xffff  }
0x99: {  	v62 =	vadd.f32 v62, v12;
	v61 =	vadd.s32 v18, v46;
	[tilespmem:v44+s20+$0x0] =	vst.idx.msk $0xffff, v31;
	v44 =	vld.idx.msk [tilespmem:v8+s28+$0xD0 ss:$0x1], $0xffff  }
0x9a: {  	v31 =	vor.u32 v61, v52;
	[tilespmem:v37+s20+$0x0] =	vst.idx.msk $0xffff, v29  }
0x9b: {  	[tilespmem:v42+s20+$0x0] =	vst.idx.msk $0xffff, v62;
	v63 =	vor.u32 v61, v56;
	v29 =	vadd.s32 v19, v46;
	v36 =	vld.idx.msk [tilespmem:v8+s28+$0x90 ss:$0x1], $0xffff  }
0x9c: {  	v38 =	vor.u32 v61, v57;
	v53 =	vor.u32 v29, v52;
	v30 =	vadd.f32 v30, v11  }
0x9d: {  	v35 =	vadd.f32 v60, v15;
	v60 =	vor.u32 v61, v58;
	v48 =	vadd.f32 v48, v15  }
0x9e: {  	v61 =	vld.idx.msk [tilespmem:v8+s24+$0x2090 ss:$0x1], $0xffff;
	v49 =	vadd.f32 v59, v11;
	v62 =	vadd.f32 v44, v15;
	[tilespmem:v47+s20+$0x0] =	vst.idx.msk $0xffff, v30  }
0x9f: {  	v30 =	vld.idx.msk [tilespmem:v8+s24+$0x20D0 ss:$0x1], $0xffff;
	v47 =	vor.u32 v29, v56;
	[tilespmem:v31+s20+$0x0] =	vst.idx.msk $0xffff, v35;
	v35 =	vor.u32 v29, v58  }
0xa0: {  	v29 =	vor.u32 v29, v57;
	v36 =	vadd.f32 v36, v15;
	[tilespmem:v33+s20+$0x0] =	vst.idx.msk $0xffff, v49;
	v31 =	vld.idx.msk [tilespmem:v8+s24+$0x2020 ss:$0x1], $0xffff  }
0xa1: {  	[tilespmem:v63+s20+$0x0] =	vst.idx.msk $0xffff, v62;
	v63 =	vadd.s32 v20, v46;
	v54 =	vld.idx.msk [tilespmem:v8+s28+$0x20 ss:$0x1], $0xffff;
	v62 =	vadd.s32 v21, v46  }
0xa2: {  	[tilespmem:v38+s20+$0x0] =	vst.idx.msk $0xffff, v36;
	v45 =	vor.u32 v63, v52;
	v36 =	vld.idx.msk [tilespmem:v8+s28+$0xE0 ss:$0x1], $0xffff;
	v42 =	vor.u32 v63, v57  }
0xa3: {  	v43 =	vor.u32 v63, v56;
	[tilespmem:v60+s20+$0x0] =	vst.idx.msk $0xffff, v48;
	v59 =	vadd.f32 v61, v11;
	v60 =	vld.idx.msk [tilespmem:v8+s28+$0xA0 ss:$0x1], $0xffff  }
0xa4: {  	v44 =	vor.u32 v63, v58;
	v40 =	vor.u32 v62, v56;
	v61 =	vld.idx.msk [tilespmem:v8+s28+$0x60 ss:$0x1], $0xffff;
	v30 =	vadd.f32 v30, v11  }
0xa5: {  	v37 =	vor.u32 v62, v58;
	[tilespmem:v41+s20+$0x0] =	vst.idx.msk $0xffff, v59;
	v31 =	vadd.f32 v31, v10  }
0xa6: {  	v63 =	vld.idx.msk [tilespmem:v8+s24+$0x2060 ss:$0x1], $0xffff;
	v38 =	vor.u32 v62, v57;
	[tilespmem:v34+s20+$0x0] =	vst.idx.msk $0xffff, v30;
	v30 =	vadd.f32 v54, v16  }
0xa7: {  	v41 =	vor.u32 v62, v52;
	v34 =	vld.idx.msk [tilespmem:v8+s24+$0x20A0 ss:$0x1], $0xffff;
	[tilespmem:v39+s20+$0x0] =	vst.idx.msk $0xffff, v31;
	v31 =	vadd.f32 v36, v16  }
0xa8: {  	v59 =	vadd.s32 v23, v46;
	v36 =	vld.idx.msk [tilespmem:v8+s24+$0x20E0 ss:$0x1], $0xffff;
	[tilespmem:v53+s20+$0x0] =	vst.idx.msk $0xffff, v30;
	v30 =	vadd.f32 v60, v16  }
0xa9: {  	v54 =	vadd.s32 v22, v46;
	v53 =	vld.idx.msk [tilespmem:v8+s24+$0x2030 ss:$0x1], $0xffff;
	v61 =	vadd.f32 v61, v16;
	[tilespmem:v47+s20+$0x0] =	vst.idx.msk $0xffff, v31  }
0xaa: {  	v33 =	vor.u32 v59, v52;
	v39 =	vor.u32 v54, v52;
	[tilespmem:v29+s20+$0x0] =	vst.idx.msk $0xffff, v30  }
0xab: {  	v31 =	vor.u32 v54, v58;
	v60 =	vld.idx.msk [tilespmem:v8+s28+$0x30 ss:$0x1], $0xffff;
	v29 =	vadd.f32 v63, v10;
	[tilespmem:v35+s20+$0x0] =	vst.idx.msk $0xffff, v61  }
0xac: {  	v30 =	vor.u32 v54, v57;
	v49 =	vld.idx.msk [tilespmem:v8+s28+$0xF0 ss:$0x1], $0xffff;
	v63 =	vadd.s32 v24, v46;
	v35 =	vor.u32 v59, v56  }
0xad: {  	v34 =	vadd.f32 v34, v10;
	v48 =	vld.idx.msk [tilespmem:v8+s28+$0xB0 ss:$0x1], $0xffff;
	[tilespmem:v32+s20+$0x0] =	vst.idx.msk $0xffff, v29;
	v29 =	vadd.f32 v36, v10  }
0xae: {  	v32 =	vor.u32 v54, v56;
	v36 =	vor.u32 v59, v58;
	v54 =	vld.idx.msk [tilespmem:v8+s28+$0x70 ss:$0x1], $0xffff;
	v62 =	vadd.f32 v53, v9  }
0xaf: {  	[tilespmem:v50+s20+$0x0] =	vst.idx.msk $0xffff, v34;
	v34 =	vor.u32 v59, v57;
	v47 =	vld.idx.msk [tilespmem:v8+s24+$0x2070 ss:$0x1], $0xffff;
	v53 =	vor.u32 v63, v57  }
0xb0: {  	[tilespmem:v51+s20+$0x0] =	vst.idx.msk $0xffff, v29;
	v29 =	vor.u32 v63, v52;
	v52 =	vor.u32 v63, v58;
	v46 =	vld.idx.msk [tilespmem:v8+s24+$0x20B0 ss:$0x1], $0xffff  }
0xb1: {  	s30 =	sadd.s32 $0x100, s28;
	s29 =	simm.s32 $0x4;
	v51 =	vor.u32 v63, v56;
	[tilespmem:v55+s20+$0x0] =	vst.idx.msk $0xffff, v62;
	v55 =	vadd.f32 v60, v14;
	v50 =	vld.idx.msk [tilespmem:v8+s24+$0x20F0 ss:$0x1], $0xffff  }
.LBB2_8:
0xb2: {  	v56 =	vld.idx.msk [tilespmem:v8+s30+$0xC0 ss:$0x1], $0xffff;
	s29 =	sadd.s32 $0x4, s29;
	v49 =	vadd.f32 v49, v14  }
0xb3: {  	v57 =	vld.idx.msk [tilespmem:v8+s30+$0x80 ss:$0x1], $0xffff;
	p1 =	slt.u32 s29, $0x7C;
	[tilespmem:v45+s20+$0x0] =	vst.idx.msk $0xffff, v55;
	v45 =	vadd.f32 v48, v14  }
0xb4: {  	v54 =	vadd.f32 v54, v14;
	v55 =	vld.idx.msk [tilespmem:v8+s28+$0x2000 ss:$0x1], $0xffff;
	[tilespmem:v43+s20+$0x0] =	vst.idx.msk $0xffff, v49  }
0xb5: {  	v28 =	vadd.s32 $0x4, v28;
	v43 =	vld.idx.msk [tilespmem:v8+s30+$0x0 ss:$0x1], $0xffff;
	[tilespmem:v42+s20+$0x0] =	vst.idx.msk $0xffff, v45;
	v42 =	vadd.f32 v47, v9  }
0xb6: {  	v48 =	vand.u32 $0x4, v28;
	v49 =	vand.u32 $0xFFFFFFF8, v28;
	v45 =	vadd.f32 v46, v9;
	[tilespmem:v44+s20+$0x0] =	vst.idx.msk $0xffff, v54;
	v44 =	vld.idx.msk [tilespmem:v8+s28+$0x20C0 ss:$0x1], $0xffff  }
0xb7: {  	v47 =	vor.u32 $0x2, v48;
	v46 =	vor.u32 $0x3, v48;
	v54 =	vadd.s32 v17, v49;
	v58 =	vld.idx.msk [tilespmem:v8+s30+$0x40 ss:$0x1], $0xffff;
	[tilespmem:v27+s20+$0x0] =	vst.idx.msk $0xffff, v42  }
0xb8: {  	v61 =	vadd.f32 v50, v9;
	v42 =	vor.u32 v54, v48;
	v59 =	vor.u32 v54, v46;
	v60 =	vld.idx.msk [tilespmem:v8+s28+$0x2080 ss:$0x1], $0xffff  }
0xb9: {  	v50 =	vor.u32 $0x1, v48;
	v62 =	vor.u32 v54, v47;
	v27 =	vmov v52;
	v63 =	vld.idx.msk [tilespmem:v8+s28+$0x2040 ss:$0x1], $0xffff;
	[tilespmem:v25+s20+$0x0] =	vst.idx.msk $0xffff, v45  }
0xba: {  	v45 =	vor.u32 v54, v50;
	v52 =	vadd.f32 v55, v12;
	v25 =	vmov v53;
	[tilespmem:v26+s20+$0x0] =	vst.idx.msk $0xffff, v61  }
0xbb: {  	v53 =	vadd.s32 v18, v49;
	v54 =	vadd.s32 v19, v49;
	v55 =	vadd.f32 v56, v13;
	v26 =	vmovc v51  }
0xbc: {  	v43 =	vadd.f32 v43, v13;
	v51 =	vadd.f32 v57, v13;
	[tilespmem:v41+s20+$0x0] =	vst.idx.msk $0xffff, v52  }
0xbd: {  	v44 =	vadd.f32 v44, v12;
	v41 =	vadd.f32 v58, v13;
	[tilespmem:v59+s20+$0x0] =	vst.idx.msk $0xffff, v55;
	v52 =	vld.idx.msk [tilespmem:v8+s28+$0x2010 ss:$0x1], $0xffff  }
0xbe: {  	v55 =	vor.u32 v53, v48;
	[tilespmem:v42+s20+$0x0] =	vst.idx.msk $0xffff, v43;
	v56 =	vld.idx.msk [tilespmem:v8+s30+$0xD0 ss:$0x1], $0xffff;
	v42 =	vadd.f32 v60, v12  }
0xbf: {  	v58 =	vor.u32 v53, v46;
	v43 =	vadd.f32 v63, v12;
	v57 =	vld.idx.msk [tilespmem:v8+s30+$0x10 ss:$0x1], $0xffff;
	[tilespmem:v40+s20+$0x0] =	vst.idx.msk $0xffff, v44  }
0xc0: {  	v59 =	vor.u32 v53, v50;
	[tilespmem:v62+s20+$0x0] =	vst.idx.msk $0xffff, v51;
	v51 =	vor.u32 v53, v47;
	v40 =	vld.idx.msk [tilespmem:v8+s28+$0x20D0 ss:$0x1], $0xffff  }
0xc1: {  	v61 =	vor.u32 v54, v46;
	v53 =	vor.u32 v54, v48;
	[tilespmem:v45+s20+$0x0] =	vst.idx.msk $0xffff, v41;
	v60 =	vld.idx.msk [tilespmem:v8+s30+$0x90 ss:$0x1], $0xffff  }
0xc2: {  	v63 =	vor.u32 v54, v50;
	v54 =	vor.u32 v54, v47;
	v62 =	vld.idx.msk [tilespmem:v8+s30+$0x50 ss:$0x1], $0xffff;
	[tilespmem:v37+s20+$0x0] =	vst.idx.msk $0xffff, v43  }
0xc3: {  	v37 =	vadd.s32 v20, v49;
	v41 =	vadd.f32 v52, v11;
	v52 =	vld.idx.msk [tilespmem:v8+s28+$0x2050 ss:$0x1], $0xffff;
	[tilespmem:v38+s20+$0x0] =	vst.idx.msk $0xffff, v42  }
0xc4: {  	v45 =	vor.u32 v37, v48;
	v42 =	vor.u32 v37, v47;
	v43 =	vor.u32 v37, v46;
	v0 =	vld.idx.msk [tilespmem:v8+s28+$0x2090 ss:$0x1], $0xffff  }
0xc5: {  	v44 =	vor.u32 v37, v50;
	v38 =	vadd.f32 v57, v15;
	[tilespmem:v39+s20+$0x0] =	vst.idx.msk $0xffff, v41  }
0xc6: {  	v37 =	vadd.f32 v56, v15;
	v39 =	vadd.s32 v21, v49;
	v57 =	vadd.f32 v40, v11;
	v56 =	vld.idx.msk [tilespmem:v8+s28+$0x2020 ss:$0x1], $0xffff  }
0xc7: {  	v41 =	vor.u32 v39, v48;
	[tilespmem:v55+s20+$0x0] =	vst.idx.msk $0xffff, v38;
	v38 =	vadd.f32 v60, v15  }
0xc8: {  	v40 =	vor.u32 v39, v46;
	v60 =	vadd.f32 v62, v15;
	v55 =	vld.idx.msk [tilespmem:v8+s30+$0x20 ss:$0x1], $0xffff;
	[tilespmem:v58+s20+$0x0] =	vst.idx.msk $0xffff, v37  }
0xc9: {  	v37 =	vor.u32 v39, v50;
	v52 =	vadd.f32 v52, v11;
	[tilespmem:v51+s20+$0x0] =	vst.idx.msk $0xffff, v38;
	v51 =	vld.idx.msk [tilespmem:v8+s30+$0xE0 ss:$0x1], $0xffff  }
0xca: {  	v38 =	vor.u32 v39, v47;
	v0 =	vadd.f32 v0, v11;
	[tilespmem:v59+s20+$0x0] =	vst.idx.msk $0xffff, v60;
	v58 =	vld.idx.msk [tilespmem:v8+s30+$0xA0 ss:$0x1], $0xffff  }
0xcb: {  	v59 =	vadd.s32 v22, v49;
	v60 =	vadd.s32 v23, v49;
	v62 =	vld.idx.msk [tilespmem:v8+s30+$0x60 ss:$0x1], $0xffff;
	[tilespmem:v31+s20+$0x0] =	vst.idx.msk $0xffff, v52  }
0xcc: {  	v39 =	vor.u32 v59, v48;
	v52 =	vadd.f32 v56, v10;
	v56 =	vld.idx.msk [tilespmem:v8+s28+$0x2060 ss:$0x1], $0xffff;
	[tilespmem:v30+s20+$0x0] =	vst.idx.msk $0xffff, v0  }
0xcd: {  	v31 =	vor.u32 v59, v50;
	v30 =	vor.u32 v59, v47;
	v0 =	vld.idx.msk [tilespmem:v8+s28+$0x20A0 ss:$0x1], $0xffff;
	[tilespmem:v32+s20+$0x0] =	vst.idx.msk $0xffff, v57  }
0xce: {  	v55 =	vadd.f32 v55, v16;
	v32 =	vor.u32 v59, v46;
	[tilespmem:v33+s20+$0x0] =	vst.idx.msk $0xffff, v52;
	v57 =	vld.idx.msk [tilespmem:v8+s28+$0x20E0 ss:$0x1], $0xffff  }
0xcf: {  	v59 =	vor.u32 v60, v50;
	v33 =	vor.u32 v60, v48;
	v51 =	vadd.f32 v51, v16;
	v1 =	vld.idx.msk [tilespmem:v8+s28+$0x2030 ss:$0x1], $0xffff  }
0xd0: {  	v52 =	vadd.f32 v58, v16;
	[tilespmem:v53+s20+$0x0] =	vst.idx.msk $0xffff, v55;
	v55 =	vor.u32 v60, v47  }
0xd1: {  	v53 =	vadd.f32 v62, v16;
	v60 =	vor.u32 v60, v46;
	v58 =	vld.idx.msk [tilespmem:v8+s30+$0x30 ss:$0x1], $0xffff;
	[tilespmem:v61+s20+$0x0] =	vst.idx.msk $0xffff, v51  }
0xd2: {  	v51 =	vadd.s32 v24, v49;
	v56 =	vadd.f32 v56, v10;
	[tilespmem:v54+s20+$0x0] =	vst.idx.msk $0xffff, v52;
	v49 =	vld.idx.msk [tilespmem:v8+s30+$0xF0 ss:$0x1], $0xffff  }
.Ltmp8:
0xd3: {  	v61 =	vor.u32 v51, v48;
	v0 =	vadd.f32 v0, v10;
	[tilespmem:v63+s20+$0x0] =	vst.idx.msk $0xffff, v53;
	v48 =	vld.idx.msk [tilespmem:v8+s30+$0xB0 ss:$0x1], $0xffff;
	(pc) =	sbr.rel @p1 .LBB2_8-.Ltmp8, $4  }
0xd4: {  	v52 =	vor.u32 v51, v50;
	v50 =	vadd.f32 v57, v10;
	v54 =	vld.idx.msk [tilespmem:v8+s30+$0x70 ss:$0x1], $0xffff;
	[tilespmem:v36+s20+$0x0] =	vst.idx.msk $0xffff, v56  }
0xd5: {  	v53 =	vor.u32 v51, v47;
	v1 =	vadd.f32 v1, v9;
	v47 =	vld.idx.msk [tilespmem:v8+s28+$0x2070 ss:$0x1], $0xffff;
	[tilespmem:v34+s20+$0x0] =	vst.idx.msk $0xffff, v0  }
0xd6: {  	v51 =	vor.u32 v51, v46;
	v36 =	vmov v59;
	v34 =	vmov v55;
	v46 =	vld.idx.msk [tilespmem:v8+s28+$0x20B0 ss:$0x1], $0xffff;
	[tilespmem:v35+s20+$0x0] =	vst.idx.msk $0xffff, v50  }
0xd7: {  	v55 =	vadd.f32 v58, v14;
	v35 =	vmov v60;
	[tilespmem:v29+s20+$0x0] =	vst.idx.msk $0xffff, v1;
	v50 =	vld.idx.msk [tilespmem:v8+s28+$0x20F0 ss:$0x1], $0xffff;
	v29 =	vmov v61;
	s28 =	smov.u32 s30;
	s30 =	sadd.s32 $0x100, s30  }
0xd8: {  	_ =	sdelay $0x2  }
0xd9: {  	v0 =	vadd.f32 v54, v14  }
0xda: {  	v1 =	vadd.f32 v48, v14;
	[tilespmem:v45+s20+$0x0] =	vst.idx.msk $0xffff, v55  }
0xdb: {  	v13 =	vadd.f32 v49, v14;
	v57 =	vld.idx.msk [tilespmem:v8+s28+$0x2000 ss:$0x1], $0xffff;
	[tilespmem:v44+s20+$0x0] =	vst.idx.msk $0xffff, v0  }
0xdc: {  	[tilespmem:v42+s20+$0x0] =	vst.idx.msk $0xffff, v1;
	v0 =	vld.idx.msk [tilespmem:v8+s28+$0x2040 ss:$0x1], $0xffff  }
0xdd: {  	[tilespmem:v43+s20+$0x0] =	vst.idx.msk $0xffff, v13;
	v1 =	vld.idx.msk [tilespmem:v8+s28+$0x2080 ss:$0x1], $0xffff  }
0xde: {  	v13 =	vld.idx.msk [tilespmem:v8+s28+$0x20C0 ss:$0x1], $0xffff;
	_ =	sdelay $0x1  }
0xdf: {  	v14 =	vadd.f32 v57, v12  }
0xe0: {  	v0 =	vadd.f32 v0, v12  }
0xe1: {  	v1 =	vadd.f32 v1, v12;
	[tilespmem:v41+s20+$0x0] =	vst.idx.msk $0xffff, v14  }
0xe2: {  	v58 =	vadd.f32 v13, v12;
	v14 =	vld.idx.msk [tilespmem:v8+s28+$0x2010 ss:$0x1], $0xffff;
	[tilespmem:v37+s20+$0x0] =	vst.idx.msk $0xffff, v0  }
0xe3: {  	[tilespmem:v38+s20+$0x0] =	vst.idx.msk $0xffff, v1;
	v0 =	vld.idx.msk [tilespmem:v8+s28+$0x2050 ss:$0x1], $0xffff  }
0xe4: {  	[tilespmem:v40+s20+$0x0] =	vst.idx.msk $0xffff, v58;
	v1 =	vld.idx.msk [tilespmem:v8+s28+$0x2090 ss:$0x1], $0xffff  }
0xe5: {  	v12 =	vld.idx.msk [tilespmem:v8+s28+$0x20D0 ss:$0x1], $0xffff;
	_ =	sdelay $0x1  }
0xe6: {  	v59 =	vadd.f32 v14, v11  }
0xe7: {  	v0 =	vadd.f32 v0, v11  }
0xe8: {  	v1 =	vadd.f32 v1, v11;
	[tilespmem:v39+s20+$0x0] =	vst.idx.msk $0xffff, v59  }
0xe9: {  	v60 =	vadd.f32 v12, v11;
	v13 =	vld.idx.msk [tilespmem:v8+s28+$0x2020 ss:$0x1], $0xffff;
	[tilespmem:v31+s20+$0x0] =	vst.idx.msk $0xffff, v0  }
0xea: {  	[tilespmem:v30+s20+$0x0] =	vst.idx.msk $0xffff, v1;
	v0 =	vld.idx.msk [tilespmem:v8+s28+$0x2060 ss:$0x1], $0xffff  }
0xeb: {  	[tilespmem:v32+s20+$0x0] =	vst.idx.msk $0xffff, v60;
	v1 =	vld.idx.msk [tilespmem:v8+s28+$0x20A0 ss:$0x1], $0xffff  }
0xec: {  	v11 =	vld.idx.msk [tilespmem:v8+s28+$0x20E0 ss:$0x1], $0xffff;
	_ =	sdelay $0x1  }
0xed: {  	v61 =	vadd.f32 v13, v10  }
0xee: {  	v0 =	vadd.f32 v0, v10  }
0xef: {  	v1 =	vadd.f32 v1, v10;
	[tilespmem:v33+s20+$0x0] =	vst.idx.msk $0xffff, v61  }
0xf0: {  	v12 =	vld.idx.msk [tilespmem:v8+s28+$0x2030 ss:$0x1], $0xffff;
	[tilespmem:v36+s20+$0x0] =	vst.idx.msk $0xffff, v0;
	v0 =	vadd.f32 v11, v10  }
0xf1: {  	[tilespmem:v34+s20+$0x0] =	vst.idx.msk $0xffff, v1;
	v62 =	vld.idx.msk [tilespmem:v8+s28+$0x2070 ss:$0x1], $0xffff  }
0xf2: {  	v1 =	vadd.f32 v47, v9;
	v63 =	vld.idx.msk [tilespmem:v8+s28+$0x20B0 ss:$0x1], $0xffff;
	[tilespmem:v35+s20+$0x0] =	vst.idx.msk $0xffff, v0  }
0xf3: {  	v0 =	vadd.f32 v46, v9;
	v8 =	vld.idx.msk [tilespmem:v8+s28+$0x20F0 ss:$0x1], $0xffff  }
0xf4: {  	[tilespmem:v27+s20+$0x0] =	vst.idx.msk $0xffff, v1;
	v1 =	vadd.f32 v50, v9  }
0xf5: {  	p1 =	sne.s32 s26, $0x0;
	[tilespmem:v25+s20+$0x0] =	vst.idx.msk $0xffff, v0;
	v0 =	vadd.f32 v12, v9  }
.Ltmp9:
0xf6: {  	[tilespmem:v26+s20+$0x0] =	vst.idx.msk $0xffff, v1;
	v1 =	vadd.f32 v62, v9;
	(pc) =	sbr.rel @p1 .LBB2_13-.Ltmp9, $4  }
0xf7: {  	[tilespmem:v29+s20+$0x0] =	vst.idx.msk $0xffff, v0;
	v0 =	vadd.f32 v63, v9  }
0xf8: {  	[tilespmem:v52+s20+$0x0] =	vst.idx.msk $0xffff, v1;
	v1 =	vadd.f32 v8, v9  }
0xf9: {  	s0 =	sshll.u32 s25, $0x13;
	[tilespmem:v53+s20+$0x0] =	vst.idx.msk $0xffff, v0  }
0xfa: {  	s26 =	sor.u32 s4, s0;
	[tilespmem:v51+s20+$0x0] =	vst.idx.msk $0xffff, v1  }
0xfb: {  	s0 =	sshrl.u32 s26, $0x3  }
0xfc: {  	s2 =	simm.s32 $0x15600;
	s29 =	sadd.s32 s1, s0  }
0xfd: {  	[hbm4b:s29+s3] =	stream.linear.scatter [tilespmem:s2], [sflag:$0x4], $0x80, $0x38;
	[tilespmem:$0x1DE00] =	vst v63  }
0xfe: {  	s2 =	simm.s32 $0x15688;
	s28 =	sadd.s32 $0x10, s29  }
0xff: {  	[hbm4b:s28+s3] =	stream.linear.scatter [tilespmem:s2], [sflag:$0x4], $0x80, $0x38;
	[tilespmem:$0x1DE00] =	vst v63  }
0x100: {  	s2 =	simm.s32 $0x15710;
	s28 =	sadd.s32 $0x20, s29  }
0x101: {  	[hbm4b:s28+s3] =	stream.linear.scatter [tilespmem:s2], [sflag:$0x4], $0x80, $0x38;
	[tilespmem:$0x1DE00] =	vst v63  }
0x102: {  	s2 =	simm.s32 $0x15798;
	s28 =	sadd.s32 $0x30, s29  }
0x103: {  	[hbm4b:s28+s3] =	stream.linear.scatter [tilespmem:s2], [sflag:$0x4], $0x80, $0x38;
	[tilespmem:$0x1DE00] =	vst v63  }
0x104: {  	s2 =	simm.s32 $0x15820;
	s28 =	sadd.s32 $0x40, s29  }
0x105: {  	[hbm4b:s28+s3] =	stream.linear.scatter [tilespmem:s2], [sflag:$0x4], $0x80, $0x38;
	[tilespmem:$0x1DE00] =	vst v63  }
0x106: {  	s30 =	simm.s32 $0x2200;
	s2 =	simm.s32 $0x158A8;
	s28 =	sadd.s32 $0x50, s29  }
0x107: {  	[hbm4b:s28+s3] =	stream.linear.scatter [tilespmem:s2], [sflag:$0x4], $0x80, $0x38;
	[tilespmem:$0x1DE00] =	vst v63  }
0x108: {  	s31 =	simm.s32 $0x159B8;
	s2 =	simm.s32 $0x15930;
	s28 =	sadd.s32 $0x60, s29  }
0x109: {  	[hbm4b:s28+s3] =	stream.linear.scatter [tilespmem:s2], [sflag:$0x4], $0x80, $0x38;
	[tilespmem:$0x1DE00] =	vst v63  }
0x10a: {  	s0 =	sadd.s32 $0x70, s29;
	s29 =	sadd.s32 $0x1000, s29;
	s28 =	simm.s32 $0x440  }
.LBB2_11:
0x10b: {  	[hbm4b:s0+s3] =	stream.linear.scatter [tilespmem:s31], [sflag:$0x4], $0x80, $0x38;
	[tilespmem:$0x1DE00] =	vst v63  }
0x10c: {  	s0 =	smov.u32 s28;
	s28 =	smov.u32 s30  }
0x10d: {  	s2 =	sadd.s32 $0x1100, s30;
	s28 =	sshra.s32 s28, $0x2;
	s31 =	sadd.s32 $0x15600, s0  }
0x10e: {  	[hbm4b:s29+s3] =	stream.linear.scatter [tilespmem:s31], [sflag:$0x4], $0x80, $0x38;
	[tilespmem:$0x1DE00] =	vst v63  }
0x10f: {  	p1 =	sne.s32 s30, $0xFF00;
	s30 =	sadd.s32 $0x15688, s0;
	s31 =	sadd.s32 $0x10, s29  }
0x110: {  	[hbm4b:s31+s3] =	stream.linear.scatter [tilespmem:s30], [sflag:$0x4], $0x80, $0x38;
	[tilespmem:$0x1DE00] =	vst v63  }
0x111: {  	s30 =	sadd.s32 $0x15710, s0;
	s31 =	sadd.s32 $0x20, s29  }
0x112: {  	[hbm4b:s31+s3] =	stream.linear.scatter [tilespmem:s30], [sflag:$0x4], $0x80, $0x38;
	[tilespmem:$0x1DE00] =	vst v63  }
0x113: {  	s30 =	sadd.s32 $0x15798, s0;
	s31 =	sadd.s32 $0x30, s29  }
0x114: {  	[hbm4b:s31+s3] =	stream.linear.scatter [tilespmem:s30], [sflag:$0x4], $0x80, $0x38;
	[tilespmem:$0x1DE00] =	vst v63  }
0x115: {  	s30 =	sadd.s32 $0x15820, s0;
	s31 =	sadd.s32 $0x40, s29  }
0x116: {  	[hbm4b:s31+s3] =	stream.linear.scatter [tilespmem:s30], [sflag:$0x4], $0x80, $0x38;
	[tilespmem:$0x1DE00] =	vst v63  }
0x117: {  	s30 =	sadd.s32 $0x158A8, s0;
	s31 =	sadd.s32 $0x50, s29  }
0x118: {  	[hbm4b:s31+s3] =	stream.linear.scatter [tilespmem:s30], [sflag:$0x4], $0x80, $0x38;
	[tilespmem:$0x1DE00] =	vst v63  }
.Ltmp10:
0x119: {  	_ = 	snop;
	(pc) =	sbr.rel @p1 .LBB2_11-.Ltmp10, $4  }
0x11a: {  	s30 =	sadd.s32 $0x15930, s0;
	s31 =	sadd.s32 $0x60, s29  }
0x11b: {  	[hbm4b:s31+s3] =	stream.linear.scatter [tilespmem:s30], [sflag:$0x4], $0x80, $0x38;
	[tilespmem:$0x1DE00] =	vst v63  }
0x11c: {  	s31 =	sadd.s32 $0x159B8, s0  }
0x11d: {  	s0 =	sadd.s32 $0x70, s29;
	s29 =	sadd.s32 $0x1000, s29;
	s30 =	smov.u32 s2  }
0x11e: {  	[hbm4b:s0+s3] =	stream.linear.scatter [tilespmem:s31], [sflag:$0x4], $0x80, $0x38;
	[tilespmem:$0x1DE00] =	vst v63  }
0x11f: {  	s30 =	sadd.s32 $0x15600, s28  }
0x120: {  	[hbm4b:s29+s3] =	stream.linear.scatter [tilespmem:s30], [sflag:$0x4], $0x80, $0x38;
	[tilespmem:$0x1DE00] =	vst v63  }
0x121: {  	s31 =	sadd.s32 $0x15688, s28;
	s2 =	sadd.s32 $0x10, s29  }
0x122: {  	[hbm4b:s2+s3] =	stream.linear.scatter [tilespmem:s31], [sflag:$0x4], $0x80, $0x38;
	[tilespmem:$0x1DE00] =	vst v63  }
0x123: {  	s30 =	sadd.s32 $0x15710, s28;
	s31 =	sadd.s32 $0x20, s29  }
0x124: {  	[hbm4b:s31+s3] =	stream.linear.scatter [tilespmem:s30], [sflag:$0x4], $0x80, $0x38;
	[tilespmem:$0x1DE00] =	vst v63  }
0x125: {  	s30 =	sadd.s32 $0x15798, s28;
	s31 =	sadd.s32 $0x30, s29  }
0x126: {  	[hbm4b:s31+s3] =	stream.linear.scatter [tilespmem:s30], [sflag:$0x4], $0x80, $0x38;
	[tilespmem:$0x1DE00] =	vst v63  }
0x127: {  	s30 =	sadd.s32 $0x15820, s28;
	s31 =	sadd.s32 $0x40, s29  }
0x128: {  	[hbm4b:s31+s3] =	stream.linear.scatter [tilespmem:s30], [sflag:$0x4], $0x80, $0x38;
	[tilespmem:$0x1DE00] =	vst v63  }
0x129: {  	s30 =	sadd.s32 $0x158A8, s28;
	s31 =	sadd.s32 $0x50, s29  }
0x12a: {  	[hbm4b:s31+s3] =	stream.linear.scatter [tilespmem:s30], [sflag:$0x4], $0x80, $0x38;
	[tilespmem:$0x1DE00] =	vst v63  }
0x12b: {  	s30 =	sadd.s32 $0x15930, s28;
	s31 =	sadd.s32 $0x60, s29  }
0x12c: {  	[hbm4b:s31+s3] =	stream.linear.scatter [tilespmem:s30], [sflag:$0x4], $0x80, $0x38;
	[tilespmem:$0x1DE00] =	vst v63  }
0x12d: {  	s30 =	sadd.s32 $0x159B8, s28;
	s31 =	sadd.s32 $0x70, s29  }
0x12e: {  	[hbm4b:s31+s3] =	stream.linear.scatter [tilespmem:s30], [sflag:$0x4], $0x80, $0x38;
	[tilespmem:$0x1DE00] =	vst v63  }
.LBB2_13:
.Ltmp11:
0x12f: {  	(pc) =	sbr.rel @!p0 .LBB2_17-.Ltmp11, $1  }
0x130: {  	_ =	sdelay $0x3  }
0x131: {  	s0 =	sshrl.u32 s26, $0x3  }
0x132: {  	s31 =	simm.s32 $0x19A00;
	s2 =	sadd.s32 s1, s0  }
0x133: {  	[hbm4b:s2+s3] =	stream.linear.scatter [tilespmem:s31], [sflag:$0x5], $0x80, $0x38;
	[tilespmem:$0x1DE00] =	vst v63  }
0x134: {  	s26 =	simm.s32 $0x19A88;
	s31 =	sadd.s32 $0x10, s2  }
0x135: {  	[hbm4b:s31+s3] =	stream.linear.scatter [tilespmem:s26], [sflag:$0x5], $0x80, $0x38;
	[tilespmem:$0x1DE00] =	vst v63  }
0x136: {  	s26 =	simm.s32 $0x19B10;
	s31 =	sadd.s32 $0x20, s2  }
0x137: {  	[hbm4b:s31+s3] =	stream.linear.scatter [tilespmem:s26], [sflag:$0x5], $0x80, $0x38;
	[tilespmem:$0x1DE00] =	vst v63  }
0x138: {  	s26 =	simm.s32 $0x19B98;
	s31 =	sadd.s32 $0x30, s2  }
0x139: {  	[hbm4b:s31+s3] =	stream.linear.scatter [tilespmem:s26], [sflag:$0x5], $0x80, $0x38;
	[tilespmem:$0x1DE00] =	vst v63  }
0x13a: {  	s26 =	simm.s32 $0x19C20;
	s31 =	sadd.s32 $0x40, s2  }
0x13b: {  	[hbm4b:s31+s3] =	stream.linear.scatter [tilespmem:s26], [sflag:$0x5], $0x80, $0x38;
	[tilespmem:$0x1DE00] =	vst v63  }
0x13c: {  	s29 =	simm.s32 $0x2200;
	s26 =	simm.s32 $0x19CA8;
	s31 =	sadd.s32 $0x50, s2  }
0x13d: {  	[hbm4b:s31+s3] =	stream.linear.scatter [tilespmem:s26], [sflag:$0x5], $0x80, $0x38;
	[tilespmem:$0x1DE00] =	vst v63  }
0x13e: {  	s30 =	simm.s32 $0x19DB8;
	s26 =	simm.s32 $0x19D30;
	s31 =	sadd.s32 $0x60, s2  }
0x13f: {  	[hbm4b:s31+s3] =	stream.linear.scatter [tilespmem:s26], [sflag:$0x5], $0x80, $0x38;
	[tilespmem:$0x1DE00] =	vst v63  }
0x140: {  	s0 =	sadd.s32 $0x70, s2;
	s28 =	sadd.s32 $0x1000, s2;
	s26 =	simm.s32 $0x440  }
.LBB2_15:
0x141: {  	[hbm4b:s0+s3] =	stream.linear.scatter [tilespmem:s30], [sflag:$0x5], $0x80, $0x38;
	[tilespmem:$0x1DE00] =	vst v63  }
0x142: {  	s0 =	smov.u32 s26;
	s2 =	smov.u32 s29  }
0x143: {  	s26 =	sshra.s32 s2, $0x2;
	s2 =	sadd.s32 $0x1100, s29;
	s30 =	sadd.s32 $0x19A00, s0  }
0x144: {  	[hbm4b:s28+s3] =	stream.linear.scatter [tilespmem:s30], [sflag:$0x5], $0x80, $0x38;
	[tilespmem:$0x1DE00] =	vst v63  }
0x145: {  	p0 =	sne.s32 s29, $0xFF00;
	s29 =	sadd.s32 $0x19A88, s0;
	s30 =	sadd.s32 $0x10, s28  }
0x146: {  	[hbm4b:s30+s3] =	stream.linear.scatter [tilespmem:s29], [sflag:$0x5], $0x80, $0x38;
	[tilespmem:$0x1DE00] =	vst v63  }
0x147: {  	s29 =	sadd.s32 $0x19B10, s0;
	s30 =	sadd.s32 $0x20, s28  }
0x148: {  	[hbm4b:s30+s3] =	stream.linear.scatter [tilespmem:s29], [sflag:$0x5], $0x80, $0x38;
	[tilespmem:$0x1DE00] =	vst v63  }
0x149: {  	s29 =	sadd.s32 $0x19B98, s0;
	s30 =	sadd.s32 $0x30, s28  }
0x14a: {  	[hbm4b:s30+s3] =	stream.linear.scatter [tilespmem:s29], [sflag:$0x5], $0x80, $0x38;
	[tilespmem:$0x1DE00] =	vst v63  }
0x14b: {  	s29 =	sadd.s32 $0x19C20, s0;
	s30 =	sadd.s32 $0x40, s28  }
0x14c: {  	[hbm4b:s30+s3] =	stream.linear.scatter [tilespmem:s29], [sflag:$0x5], $0x80, $0x38;
	[tilespmem:$0x1DE00] =	vst v63  }
0x14d: {  	s29 =	sadd.s32 $0x19CA8, s0;
	s30 =	sadd.s32 $0x50, s28  }
0x14e: {  	[hbm4b:s30+s3] =	stream.linear.scatter [tilespmem:s29], [sflag:$0x5], $0x80, $0x38;
	[tilespmem:$0x1DE00] =	vst v63  }
.Ltmp12:
0x14f: {  	_ = 	snop;
	(pc) =	sbr.rel @p0 .LBB2_15-.Ltmp12, $4  }
0x150: {  	s29 =	sadd.s32 $0x19D30, s0;
	s30 =	sadd.s32 $0x60, s28  }
0x151: {  	[hbm4b:s30+s3] =	stream.linear.scatter [tilespmem:s29], [sflag:$0x5], $0x80, $0x38;
	[tilespmem:$0x1DE00] =	vst v63  }
0x152: {  	s30 =	sadd.s32 $0x19DB8, s0  }
0x153: {  	s0 =	sadd.s32 $0x70, s28;
	s28 =	sadd.s32 $0x1000, s28;
	s29 =	smov.u32 s2  }
0x154: {  	[hbm4b:s0+s3] =	stream.linear.scatter [tilespmem:s30], [sflag:$0x5], $0x80, $0x38;
	[tilespmem:$0x1DE00] =	vst v63  }
0x155: {  	s30 =	sadd.s32 $0x19A00, s26  }
0x156: {  	[hbm4b:s28+s3] =	stream.linear.scatter [tilespmem:s30], [sflag:$0x5], $0x80, $0x38;
	[tilespmem:$0x1DE00] =	vst v63  }
0x157: {  	s31 =	sadd.s32 $0x19A88, s26;
	s2 =	sadd.s32 $0x10, s28  }
0x158: {  	[hbm4b:s2+s3] =	stream.linear.scatter [tilespmem:s31], [sflag:$0x5], $0x80, $0x38;
	[tilespmem:$0x1DE00] =	vst v63  }
0x159: {  	s29 =	sadd.s32 $0x20, s28;
	s2 =	sadd.s32 $0x19B10, s26  }
0x15a: {  	[hbm4b:s29+s3] =	stream.linear.scatter [tilespmem:s2], [sflag:$0x5], $0x80, $0x38;
	[tilespmem:$0x1DE00] =	vst v63  }
0x15b: {  	s30 =	sadd.s32 $0x19B98, s26;
	s31 =	sadd.s32 $0x30, s28  }
0x15c: {  	[hbm4b:s31+s3] =	stream.linear.scatter [tilespmem:s30], [sflag:$0x5], $0x80, $0x38;
	[tilespmem:$0x1DE00] =	vst v63  }
0x15d: {  	s2 =	sadd.s32 $0x19C20, s26;
	s29 =	sadd.s32 $0x40, s28  }
0x15e: {  	[hbm4b:s29+s3] =	stream.linear.scatter [tilespmem:s2], [sflag:$0x5], $0x80, $0x38;
	[tilespmem:$0x1DE00] =	vst v63  }
0x15f: {  	s30 =	sadd.s32 $0x19CA8, s26;
	s31 =	sadd.s32 $0x50, s28  }
0x160: {  	[hbm4b:s31+s3] =	stream.linear.scatter [tilespmem:s30], [sflag:$0x5], $0x80, $0x38;
	[tilespmem:$0x1DE00] =	vst v63  }
.Ltmp13:
0x161: {  	_ = 	snop;
	(pc) =	sbr.rel .LBB2_17-.Ltmp13, $4  }
0x162: {  	s2 =	sadd.s32 $0x19D30, s26;
	s29 =	sadd.s32 $0x60, s28  }
0x163: {  	[hbm4b:s29+s3] =	stream.linear.scatter [tilespmem:s2], [sflag:$0x5], $0x80, $0x38;
	[tilespmem:$0x1DE00] =	vst v63  }
0x164: {  	s30 =	sadd.s32 $0x19DB8, s26;
	s31 =	sadd.s32 $0x70, s28  }
0x165: {  	[hbm4b:s31+s3] =	stream.linear.scatter [tilespmem:s30], [sflag:$0x5], $0x80, $0x38;
	[tilespmem:$0x1DE00] =	vst v63  }
.LBB2_19:
0x166: {  	_ =	sfence.sel $0x180000  }
0x167: {  	[bflag:$0x0] =	sbarrier.arrive $0xFFFF  }
0x168: {  	_ =	strace $0x90000047  }
0x169: {  	s0 =	stileid.u32;
	[bflag:$0x2] =	sbarrier.arrive $0xFFFF  }
0x16a: {  	p0 =	sne.s32 s0, $0x0;
	s0 =	rddreg [dreg:$0x3]  }
0x16b: {  	s0 =	sadd.s32 @!p0 $0x100000, s0  }
0x16c: {  	[sflag:s0] =	ssyncadd.tile.s32 @!p0 $0x1;
	_ =	shalt  }
.Lfunc_end2:
_tile_overlayer_lowered:
.L_overlay_start_2:
0x16d: {  	(tag) =	ssettag $0x2  }
0x16e: {  	s0 =	rddreg [dreg:$0x0];
	s2 =	stileid.u32  }
0x16f: {  	s1 =	rddreg [dreg:$0x1];
	p0 =	sne.s32 s2, $0x0  }
0x170: {  	s3 =	rddreg [dreg:$0x2];
	[bflag:$0x3] =	sbarrier.arrive $0xFFFF;
	s2 =	simm.s32 @!p0 $0x1C06  }
0x171: {  	[timem:s3], [sflag:s2] =	dma.local @!p0 [hbm:s0], s1  }
0x172: {  	s0 =	simm.s32 @!p0 $0x6  }
0x173: {  	_ =	swait.ge @!p0 [sflag:s0], s1  }
0x174: {  	s1 =	ssub.s32 @!p0 $0x0, s1;
	[sflag:s0] =	ssyncset.done @!p0 $0x0  }
0x175: {  	[sflag:s0] =	ssyncadd.s32 @!p0 s1  }
0x176: {  	[bflag:$0x3] =	sbarrier.arrive $0xFFFF  }
0x177: {  	_ =	shalt  }

</sc_bundles>
